<compile_context>
chip_gen: v7x
topology: tpu7x:2x2x1
jax: 0.10.2.dev20260603
libtpu: 0.0.44.dev20260713+nightly
codegen_flags: <defaults>
</compile_context>

<pallas_src>
import functools

import jax
import jax.numpy as jnp
from jax import lax
from jax.experimental import pallas as pl
from jax.experimental.pallas import tpu as pltpu
from jax.experimental.pallas import tpu_sc as plsc

_N = 10000
_D = 128
_HD = 64
_NP = 10240
_NC, _NS = 2, 16
_K = 128
_CH = 160
_EP = _NS * _CH * _K
_CHD = _CH // 2
_RPT = _NP // _NS
_DUMMY = _NP - 1
_NBUF = 4

_mesh = plsc.VectorSubcoreMesh(core_axis_name="c", subcore_axis_name="s")
_sc_params = pltpu.CompilerParams(use_tc_tiling_on_sc=False, needs_layout_passes=False)


@functools.partial(
    pl.kernel,
    out_type=jax.ShapeDtypeStruct((_NC, _NP, 16), jnp.float32),
    mesh=_mesh,
    scratch_types=[
        pltpu.VMEM((_CHD, _K), jnp.int32),
        pltpu.VMEM((_K, 16), jnp.float32),
        pltpu.VMEM((_K, 16), jnp.float32),
        pltpu.VMEM_SHARED((_NP, 16), jnp.float32),
    ],
    compiler_params=_sc_params,
)
def _deg_sc(colp, degp, colv, ones_v, zv, dacc):
    c = lax.axis_index("c")
    s = lax.axis_index("s")
    pltpu.sync_copy(colp.at[s].at[pl.ds(c * _CHD, _CHD)], colv)

    def fill(r, carry):
        ones_v[r, pl.ds(0, 16)] = jnp.full((16,), 1.0, jnp.float32)
        zv[r, pl.ds(0, 16)] = jnp.zeros((16,), jnp.float32)
        return carry

    lax.fori_loop(0, _K, fill, 0)
    for t in range(_RPT // _K):
        pltpu.sync_copy(zv, dacc.at[pl.ds(s * _RPT + t * _K, _K)])
    plsc.subcore_barrier()

    def body(j, carry):
        pltpu.sync_copy(ones_v, dacc.at[colv.at[j]], add=True)
        return carry

    lax.fori_loop(0, _CHD, body, 0)
    plsc.subcore_barrier()
    pltpu.sync_copy(dacc.at[pl.ds(s * _RPT, _RPT)],
                    degp.at[c].at[pl.ds(s * _RPT, _RPT)])


@functools.partial(
    pl.kernel,
    out_type=jax.ShapeDtypeStruct((_NC, _NP, _HD), jnp.float32),
    mesh=_mesh,
    scratch_types=[
        pltpu.VMEM((_CH, _K), jnp.int32),
        pltpu.VMEM((_CH, _K), jnp.int32),
        [pltpu.VMEM((_K, _HD), jnp.bfloat16)] * 2,
        [pltpu.VMEM((_K, _HD), jnp.float32)] * 2,
        [pltpu.SemaphoreType.DMA] * 2,
        [pltpu.SemaphoreType.DMA] * 2,
        pltpu.VMEM_SHARED((_NP, _HD), jnp.float32),
    ],
    compiler_params=_sc_params,
)
def _agg_sc(z, rowp, colp, parts, rowv, colv, gbufs, fbufs, gsems, ssems, acc):
    c = lax.axis_index("c")
    s = lax.axis_index("s")
    zsp = z.at[c]
    pltpu.sync_copy(rowp.at[s], rowv)
    pltpu.sync_copy(colp.at[s], colv)

    def zfill(r, carry):
        for q in range(_HD // 16):
            fbufs[0][r, pl.ds(q * 16, 16)] = jnp.zeros((16,), jnp.float32)
        return carry

    lax.fori_loop(0, _K, zfill, 0)
    for t in range(_RPT // _K):
        pltpu.sync_copy(fbufs[0], acc.at[pl.ds(s * _RPT + t * _K, _K)])
    plsc.subcore_barrier()

    def gather(k, b):
        pltpu.async_copy(zsp.at[rowv.at[k]], gbufs[b], gsems[b])

    def scatter(k, b):
        pltpu.async_copy(fbufs[b], acc.at[colv.at[k]], ssems[b], add=True)

    def convert(b):
        def crow(r, carry):
            for q in range(_HD // 32):
                v = gbufs[b][r, pl.ds(32 * q, 32)]
                lo, hi = plsc.unpack(v, format=plsc.PackFormat.INTERLEAVED)
                fbufs[b][r, pl.ds(32 * q, 16)] = lo
                fbufs[b][r, pl.ds(32 * q + 16, 16)] = hi
            return carry

        lax.fori_loop(0, _K, crow, 0, unroll=2)

    def step(k, b, first, last):
        pltpu.make_async_copy(zsp.at[rowv.at[k]], gbufs[b], gsems[b]).wait()
        if not first:
            pltpu.make_async_copy(fbufs[b], acc.at[colv.at[k - 2]],
                                  ssems[b]).wait()
        convert(b)
        if not last:
            gather(k + 2, b)
        scatter(k, b)

    gather(0, 0)
    gather(1, 1)
    step(0, 0, first=True, last=False)
    step(1, 1, first=True, last=False)

    def block(j, carry):
        k0 = 2 * j
        step(k0, 0, first=False, last=False)
        step(k0 + 1, 1, first=False, last=False)
        return carry

    lax.fori_loop(1, _CH // 2 - 1, block, 0)

    step(_CH - 2, 0, first=False, last=True)
    step(_CH - 1, 1, first=False, last=True)
    for b in range(2):
        pltpu.make_async_copy(fbufs[b], acc.at[colv.at[_CH - 2 + b]],
                              ssems[b]).wait()

    plsc.subcore_barrier()
    pltpu.sync_copy(acc.at[pl.ds(s * _RPT, _RPT)],
                    parts.at[c].at[pl.ds(s * _RPT, _RPT)])


_BLK = 1024
_G = _NP // _BLK


def _to_bf(z64):
    return z64.astype(jnp.bfloat16)


def _prep_body(degp, xp, dis_o, dinv_o, z0_o):
    deg = 1.0 + degp[0][:, 0:1] + degp[1][:, 0:1]
    dinv = 1.0 / deg
    dis = lax.rsqrt(deg)
    z0 = xp[...] * dis
    dis_o[...] = dis
    dinv_o[...] = dinv
    z0_o[0] = _to_bf(z0[:, :_HD])
    z0_o[1] = _to_bf(z0[:, _HD:])


_prep = pl.pallas_call(
    _prep_body,
    grid=(_G,),
    in_specs=[
        pl.BlockSpec((_NC, _BLK, 16), lambda i: (0, i, 0)),
        pl.BlockSpec((_BLK, _D), lambda i: (i, 0)),
    ],
    out_specs=[
        pl.BlockSpec((_BLK, 1), lambda i: (i, 0)),
        pl.BlockSpec((_BLK, 1), lambda i: (i, 0)),
        pl.BlockSpec((_NC, _BLK, _HD), lambda i: (0, i, 0)),
    ],
    out_shape=[
        jax.ShapeDtypeStruct((_NP, 1), jnp.float32),
        jax.ShapeDtypeStruct((_NP, 1), jnp.float32),
        jax.ShapeDtypeStruct((_NC, _NP, _HD), jnp.bfloat16),
    ],
)


def _layer_body(parts, base, dis, dinv, w, wp, b, flag, o_o, z_o, h_o):
    g = jnp.concatenate([parts[0], parts[1]], axis=1)
    t1 = jnp.dot(g, wp[...])
    t2 = jnp.dot(base[...], w[...])
    o = dis[...] * t1 + dinv[...] * t2 + b[...]
    h = jnp.where(flag[...] > 0.0, jnp.maximum(o, 0.0), o)
    z = h * dis[...]
    o_o[...] = o
    h_o[...] = h
    z_o[0] = _to_bf(z[:, :_HD])
    z_o[1] = _to_bf(z[:, _HD:])


_layer = pl.pallas_call(
    _layer_body,
    grid=(_G,),
    in_specs=[
        pl.BlockSpec((_NC, _BLK, _HD), lambda i: (0, i, 0)),
        pl.BlockSpec((_BLK, _D), lambda i: (i, 0)),
        pl.BlockSpec((_BLK, 1), lambda i: (i, 0)),
        pl.BlockSpec((_BLK, 1), lambda i: (i, 0)),
        pl.BlockSpec((_D, _D), lambda i: (0, 0)),
        pl.BlockSpec((_D, _D), lambda i: (0, 0)),
        pl.BlockSpec((1, _D), lambda i: (0, 0)),
        pl.BlockSpec((1, 1), lambda i: (0, 0)),
    ],
    out_specs=[
        pl.BlockSpec((_BLK, _D), lambda i: (i, 0)),
        pl.BlockSpec((_NC, _BLK, _HD), lambda i: (0, i, 0)),
        pl.BlockSpec((_BLK, _D), lambda i: (i, 0)),
    ],
    out_shape=[
        jax.ShapeDtypeStruct((_NP, _D), jnp.float32),
        jax.ShapeDtypeStruct((_NC, _NP, _HD), jnp.bfloat16),
        jax.ShapeDtypeStruct((_NP, _D), jnp.float32),
    ],
)


def kernel(x, edge_index, W1, b1, W2, b2):
    f32 = jnp.float32
    n, d = x.shape
    row = edge_index[0].astype(jnp.int32)
    col = edge_index[1].astype(jnp.int32)
    padn = _EP - row.shape[0]
    dummy = jnp.full((padn,), _DUMMY, jnp.int32)
    rowp = jnp.concatenate([row, dummy]).reshape(_NS, _CH, _K)
    colp = jnp.concatenate([col, dummy]).reshape(_NS, _CH, _K)
    xp = jnp.zeros((_NP, d), f32).at[:n].set(x.astype(f32))

    degp = _deg_sc(colp)
    dis, dinv, z0 = _prep(degp, xp)

    wstack = jnp.stack([W1, W2])
    perm = []
    for h in range(_D // 32):
        base32 = 32 * h
        perm += [base32 + 2 * m for m in range(16)]
        perm += [base32 + 2 * m + 1 for m in range(16)]
    pvec = jnp.array(perm, jnp.int32)
    wpstack = wstack[:, pvec, :]
    bstack = jnp.stack([b1.reshape(1, -1), b2.reshape(1, -1)])
    fstack = jnp.array([[[1.0]], [[0.0]]], f32)

    def body(carry, xs):
        z, base, _ = carry
        w, wp, bvec, flag = xs
        parts = _agg_sc(z, rowp, colp)
        o, znext, hnext = _layer(parts, base, dis, dinv, w, wp, bvec, flag)
        return (znext, hnext, o), None

    init = (z0, xp, jnp.zeros((_NP, _D), f32))
    (zf, hf, o), _ = lax.scan(body, init, (wstack, wpstack, bstack, fstack))
    return o[:n]

# --- scband reference (transcript-rebuilt; emitter-appended) ---
"""Pipeline reference for scband-gcn-71390946394436 (READ-ONLY COPY).

The authoritative reference and input builder live on the scoring server;
editing this copy changes nothing except your own understanding.
"""

import jax, jax.numpy as jnp
import numpy as np

N_NODES = 10000
D_IN = 128
D_HID = 128


def gcn_conv(x, edge_index, W, b, num_nodes):
    # PyG-style GCNConv: add self loops, symmetric normalization, scatter-add aggregation
    sl = jnp.arange(num_nodes, dtype=edge_index.dtype)
    row = jnp.concatenate([edge_index[0], sl])  # src
    col = jnp.concatenate([edge_index[1], sl])  # dst
    deg = jnp.zeros((num_nodes,), dtype=x.dtype).at[col].add(1.0)
    deg_inv_sqrt = jnp.where(deg > 0, 1.0 / jnp.sqrt(deg), 0.0)
    norm = deg_inv_sqrt[row] * deg_inv_sqrt[col]
    xw = x @ W
    msg = xw[row] * norm[:, None]  # gather over edges
    out = jnp.zeros((num_nodes, W.shape[1]), dtype=x.dtype).at[col].add(msg)  # scatter-add
    return out + b


def setup_inputs(seed: int = 0) -> dict:
    key = jax.random.key(seed)
    k_x, k_e, k_w1, k_b1, k_w2, k_b2 = jax.random.split(key, 6)
    x = jax.random.normal(k_x, (N_NODES, D_IN), dtype=jnp.float32)
    edge_index = jax.random.randint(k_e, (2, 320000), 0, N_NODES, dtype=jnp.int64)
    W1 = jax.random.normal(k_w1, (D_IN, D_HID), dtype=jnp.float32) * 0.05
    b1 = jnp.zeros((D_HID,), dtype=jnp.float32)
    W2 = jax.random.normal(k_w2, (D_HID, D_HID), dtype=jnp.float32) * 0.05
    b2 = jnp.zeros((D_HID,), dtype=jnp.float32)
    return {"x": x, "edge_index": edge_index, "W1": W1, "b1": b1, "W2": W2, "b2": b2}


def reference(x, edge_index, W1, b1, W2, b2):
    num_nodes = x.shape[0]
    # layer 0: GCNConv -> ReLU -> Dropout(0.0) == Identity
    h = gcn_conv(x, edge_index, W1, b1, num_nodes)
    h = jax.nn.relu(h)
    # layer 1 (last layer, no activation/dropout)
    h = gcn_conv(h, edge_index, W2, b2, num_nodes)
    return h

if __name__ == "__main__":
    import jax
    _d = setup_inputs()
    print(jax.jit(kernel)(*tuple(_d.values())))

</pallas_src>

<mosaic_0001>
#map = affine_map<(d0, d1) -> (0, 0, 0)>
module attributes {stable_mosaic.version = 14 : i64} {
  func.func @_agg_sc(%arg0: i32, %arg1: i32, %arg2: memref<2x10240x64xbf16, #tpu.memory_space<hbm>>, %arg3: memref<16x160x128xi32, #tpu.memory_space<hbm>>, %arg4: memref<16x160x128xi32, #tpu.memory_space<hbm>>, %arg5: memref<2x10240x64xf32, #tpu.memory_space<hbm>>, %arg6: memref<160x128xi32, #tpu.memory_space<vmem>>, %arg7: memref<160x128xi32, #tpu.memory_space<vmem>>, %arg8: memref<128x64xbf16, #tpu.memory_space<vmem>>, %arg9: memref<128x64xbf16, #tpu.memory_space<vmem>>, %arg10: memref<128x64xf32, #tpu.memory_space<vmem>>, %arg11: memref<128x64xf32, #tpu.memory_space<vmem>>, %arg12: memref<!tpu.dma_semaphore, #tpu.memory_space<semaphore_mem>>, %arg13: memref<!tpu.dma_semaphore, #tpu.memory_space<semaphore_mem>>, %arg14: memref<!tpu.dma_semaphore, #tpu.memory_space<semaphore_mem>>, %arg15: memref<!tpu.dma_semaphore, #tpu.memory_space<semaphore_mem>>, %arg16: memref<10240x64xf32, #tpu.memory_space<vmem_shared>>) attributes {dimension_semantics = [#tpu.dimension_semantics<core_parallel>, #tpu.dimension_semantics<subcore_parallel>], iteration_bounds = array<i64: 2, 16>, scalar_prefetch = 0 : i64, scratch_operands = 11 : i64, tpu.core_type = #tpu.core_type<sc_vector_subcore>, window_params = [{transform_indices = #map}, {transform_indices = #map}, {transform_indices = #map}, {transform_indices = #map}]} {
    "tpu.region"() ({
      %run_scoped3A = tpu.sem_alloc : memref<!tpu.dma_semaphore, #tpu.memory_space<semaphore_mem>>
      %dma_start3A_200 = arith.constant 0 : i32
      %dma_start3A_201 = arith.constant 0 : i32
      %dma_start3A_202 = tpu.memref_slice %arg3[%arg1, %dma_start3A_200, %dma_start3A_201] : memref<16x160x128xi32, #tpu.memory_space<hbm>> -> memref<1x160x128xi32, #tpu.memory_space<hbm>>
      %dma_start3A_203 = tpu.memref_squeeze %dma_start3A_202 : memref<1x160x128xi32, #tpu.memory_space<hbm>> -> memref<160x128xi32, #tpu.memory_space<hbm>>
      %dma_start3A_204 = arith.constant 0 : i32
      %dma_start3A_205 = arith.constant 0 : i32
      %dma_start3A_206 = tpu.memref_slice %arg3[%arg1, %dma_start3A_204, %dma_start3A_205] : memref<16x160x128xi32, #tpu.memory_space<hbm>> -> memref<1x160x128xi32, #tpu.memory_space<hbm>>
      %dma_start3A_207 = tpu.memref_squeeze %dma_start3A_206 : memref<1x160x128xi32, #tpu.memory_space<hbm>> -> memref<160x128xi32, #tpu.memory_space<hbm>>
      tpu.enqueue_dma source(%dma_start3A_207 : memref<160x128xi32, #tpu.memory_space<hbm>>) target(%arg6 : memref<160x128xi32, #tpu.memory_space<vmem>>) target_semaphore(%run_scoped3A : memref<!tpu.dma_semaphore, #tpu.memory_space<semaphore_mem>>)
      %dma_wait3A_208 = arith.constant 0 : i32
      %dma_wait3A_209 = arith.constant 0 : i32
      %dma_wait3A_210 = tpu.memref_slice %arg3[%arg1, %dma_wait3A_208, %dma_wait3A_209] : memref<16x160x128xi32, #tpu.memory_space<hbm>> -> memref<1x160x128xi32, #tpu.memory_space<hbm>>
      %dma_wait3A_211 = tpu.memref_squeeze %dma_wait3A_210 : memref<1x160x128xi32, #tpu.memory_space<hbm>> -> memref<160x128xi32, #tpu.memory_space<hbm>>
      %dma_wait3A_212 = arith.constant 0 : i32
      %dma_wait3A_213 = arith.constant 0 : i32
      %dma_wait3A_214 = tpu.memref_slice %arg3[%arg1, %dma_wait3A_212, %dma_wait3A_213] : memref<16x160x128xi32, #tpu.memory_space<hbm>> -> memref<1x160x128xi32, #tpu.memory_space<hbm>>
      %dma_wait3A_215 = tpu.memref_squeeze %dma_wait3A_214 : memref<1x160x128xi32, #tpu.memory_space<hbm>> -> memref<160x128xi32, #tpu.memory_space<hbm>>
      tpu.wait_dma2 semaphore(%run_scoped3A : memref<!tpu.dma_semaphore, #tpu.memory_space<semaphore_mem>>) src(%dma_wait3A_215 : memref<160x128xi32, #tpu.memory_space<hbm>>) dst(%arg6 : memref<160x128xi32, #tpu.memory_space<vmem>>)
      tpu.yield
    }) : () -> ()
    "tpu.region"() ({
      %run_scoped3A = tpu.sem_alloc : memref<!tpu.dma_semaphore, #tpu.memory_space<semaphore_mem>>
      %dma_start3A_200 = arith.constant 0 : i32
      %dma_start3A_201 = arith.constant 0 : i32
      %dma_start3A_202 = tpu.memref_slice %arg4[%arg1, %dma_start3A_200, %dma_start3A_201] : memref<16x160x128xi32, #tpu.memory_space<hbm>> -> memref<1x160x128xi32, #tpu.memory_space<hbm>>
      %dma_start3A_203 = tpu.memref_squeeze %dma_start3A_202 : memref<1x160x128xi32, #tpu.memory_space<hbm>> -> memref<160x128xi32, #tpu.memory_space<hbm>>
      %dma_start3A_204 = arith.constant 0 : i32
      %dma_start3A_205 = arith.constant 0 : i32
      %dma_start3A_206 = tpu.memref_slice %arg4[%arg1, %dma_start3A_204, %dma_start3A_205] : memref<16x160x128xi32, #tpu.memory_space<hbm>> -> memref<1x160x128xi32, #tpu.memory_space<hbm>>
      %dma_start3A_207 = tpu.memref_squeeze %dma_start3A_206 : memref<1x160x128xi32, #tpu.memory_space<hbm>> -> memref<160x128xi32, #tpu.memory_space<hbm>>
      tpu.enqueue_dma source(%dma_start3A_207 : memref<160x128xi32, #tpu.memory_space<hbm>>) target(%arg7 : memref<160x128xi32, #tpu.memory_space<vmem>>) target_semaphore(%run_scoped3A : memref<!tpu.dma_semaphore, #tpu.memory_space<semaphore_mem>>)
      %dma_wait3A_208 = arith.constant 0 : i32
      %dma_wait3A_209 = arith.constant 0 : i32
      %dma_wait3A_210 = tpu.memref_slice %arg4[%arg1, %dma_wait3A_208, %dma_wait3A_209] : memref<16x160x128xi32, #tpu.memory_space<hbm>> -> memref<1x160x128xi32, #tpu.memory_space<hbm>>
      %dma_wait3A_211 = tpu.memref_squeeze %dma_wait3A_210 : memref<1x160x128xi32, #tpu.memory_space<hbm>> -> memref<160x128xi32, #tpu.memory_space<hbm>>
      %dma_wait3A_212 = arith.constant 0 : i32
      %dma_wait3A_213 = arith.constant 0 : i32
      %dma_wait3A_214 = tpu.memref_slice %arg4[%arg1, %dma_wait3A_212, %dma_wait3A_213] : memref<16x160x128xi32, #tpu.memory_space<hbm>> -> memref<1x160x128xi32, #tpu.memory_space<hbm>>
      %dma_wait3A_215 = tpu.memref_squeeze %dma_wait3A_214 : memref<1x160x128xi32, #tpu.memory_space<hbm>> -> memref<160x128xi32, #tpu.memory_space<hbm>>
      tpu.wait_dma2 semaphore(%run_scoped3A : memref<!tpu.dma_semaphore, #tpu.memory_space<semaphore_mem>>) src(%dma_wait3A_215 : memref<160x128xi32, #tpu.memory_space<hbm>>) dst(%arg7 : memref<160x128xi32, #tpu.memory_space<vmem>>)
      tpu.yield
    }) : () -> ()
    %scan3A = arith.constant 0 : i32
    %scan3A_0 = arith.constant 0 : i32
    %scan3A_1 = arith.constant 128 : i32
    %scan3A_2 = arith.addi %scan3A_0, %scan3A_1 : i32
    %scan3A_3 = arith.constant 1 : i32
    scf.for %scan3A_200 = %scan3A_0 to %scan3A_2 step %scan3A_3  : i32 {
      %broadcast_in_dim3A = arith.constant 0.000000e+00 : f32
      %broadcast_in_dim3A_201 = vector.broadcast %broadcast_in_dim3A : f32 to vector<16xf32>
      %swap3A = arith.index_cast %scan3A_200 : i32 to index
      %swap3A_202 = arith.constant 0 : index
      %swap3A_203 = tpu.vector_load %arg10[%swap3A, %swap3A_202] {strides = array<i32>} : memref<128x64xf32, #tpu.memory_space<vmem>>, vector<16xf32>,
      tpu.vector_store %arg10[%swap3A, %swap3A_202], %broadcast_in_dim3A_201 {strides = array<i32>} : memref<128x64xf32, #tpu.memory_space<vmem>>, vector<16xf32>,
      %broadcast_in_dim3A_204 = arith.constant 0.000000e+00 : f32
      %broadcast_in_dim3A_205 = vector.broadcast %broadcast_in_dim3A_204 : f32 to vector<16xf32>
      %swap3A_206 = arith.index_cast %scan3A_200 : i32 to index
      %swap3A_207 = arith.constant 16 : index
      %swap3A_208 = tpu.vector_load %arg10[%swap3A_206, %swap3A_207] {strides = array<i32>} : memref<128x64xf32, #tpu.memory_space<vmem>>, vector<16xf32>,
      tpu.vector_store %arg10[%swap3A_206, %swap3A_207], %broadcast_in_dim3A_205 {strides = array<i32>} : memref<128x64xf32, #tpu.memory_space<vmem>>, vector<16xf32>,
      %broadcast_in_dim3A_209 = arith.constant 0.000000e+00 : f32
      %broadcast_in_dim3A_210 = vector.broadcast %broadcast_in_dim3A_209 : f32 to vector<16xf32>
      %swap3A_211 = arith.index_cast %scan3A_200 : i32 to index
      %swap3A_212 = arith.constant 32 : index
      %swap3A_213 = tpu.vector_load %arg10[%swap3A_211, %swap3A_212] {strides = array<i32>} : memref<128x64xf32, #tpu.memory_space<vmem>>, vector<16xf32>,
      tpu.vector_store %arg10[%swap3A_211, %swap3A_212], %broadcast_in_dim3A_210 {strides = array<i32>} : memref<128x64xf32, #tpu.memory_space<vmem>>, vector<16xf32>,
      %broadcast_in_dim3A_214 = arith.constant 0.000000e+00 : f32
      %broadcast_in_dim3A_215 = vector.broadcast %broadcast_in_dim3A_214 : f32 to vector<16xf32>
      %swap3A_216 = arith.index_cast %scan3A_200 : i32 to index
      %swap3A_217 = arith.constant 48 : index
      %swap3A_218 = tpu.vector_load %arg10[%swap3A_216, %swap3A_217] {strides = array<i32>} : memref<128x64xf32, #tpu.memory_space<vmem>>, vector<16xf32>,
      tpu.vector_store %arg10[%swap3A_216, %swap3A_217], %broadcast_in_dim3A_215 {strides = array<i32>} : memref<128x64xf32, #tpu.memory_space<vmem>>, vector<16xf32>,
    }
    %scan3A_4 = arith.constant 128 : i32
    %mul3A = arith.constant 640 : i32
    %mul3A_5 = arith.muli %arg1, %mul3A : i32
    %add3A = arith.constant 0 : i32
    %add3A_6 = arith.addi %mul3A_5, %add3A : i32
    "tpu.region"() ({
      %run_scoped3A = tpu.sem_alloc : memref<!tpu.dma_semaphore, #tpu.memory_space<semaphore_mem>>
      %dma_start3A_200 = arith.constant 0 : i32
      %dma_start3A_201 = tpu.memref_slice %arg16[%add3A_6, %dma_start3A_200] : memref<10240x64xf32, #tpu.memory_space<vmem_shared>> -> memref<128x64xf32, #tpu.memory_space<vmem_shared>>
      %dma_start3A_202 = arith.constant 0 : i32
      %dma_start3A_203 = tpu.memref_slice %arg16[%add3A_6, %dma_start3A_202] : memref<10240x64xf32, #tpu.memory_space<vmem_shared>> -> memref<128x64xf32, #tpu.memory_space<vmem_shared>>
      tpu.enqueue_dma source(%arg10 : memref<128x64xf32, #tpu.memory_space<vmem>>) target(%dma_start3A_203 : memref<128x64xf32, #tpu.memory_space<vmem_shared>>) target_semaphore(%run_scoped3A : memref<!tpu.dma_semaphore, #tpu.memory_space<semaphore_mem>>)
      %dma_wait3A_204 = arith.constant 0 : i32
      %dma_wait3A_205 = tpu.memref_slice %arg16[%add3A_6, %dma_wait3A_204] : memref<10240x64xf32, #tpu.memory_space<vmem_shared>> -> memref<128x64xf32, #tpu.memory_space<vmem_shared>>
      %dma_wait3A_206 = arith.constant 0 : i32
      %dma_wait3A_207 = tpu.memref_slice %arg16[%add3A_6, %dma_wait3A_206] : memref<10240x64xf32, #tpu.memory_space<vmem_shared>> -> memref<128x64xf32, #tpu.memory_space<vmem_shared>>
      tpu.wait_dma2 semaphore(%run_scoped3A : memref<!tpu.dma_semaphore, #tpu.memory_space<semaphore_mem>>) src(%arg10 : memref<128x64xf32, #tpu.memory_space<vmem>>) dst(%dma_wait3A_207 : memref<128x64xf32, #tpu.memory_space<vmem_shared>>)
      tpu.yield
    }) : () -> ()
    %mul3A_7 = arith.constant 640 : i32
    %mul3A_8 = arith.muli %arg1, %mul3A_7 : i32
    %add3A_9 = arith.constant 128 : i32
    %add3A_10 = arith.addi %mul3A_8, %add3A_9 : i32
    "tpu.region"() ({
      %run_scoped3A = tpu.sem_alloc : memref<!tpu.dma_semaphore, #tpu.memory_space<semaphore_mem>>
      %dma_start3A_200 = arith.constant 0 : i32
      %dma_start3A_201 = tpu.memref_slice %arg16[%add3A_10, %dma_start3A_200] : memref<10240x64xf32, #tpu.memory_space<vmem_shared>> -> memref<128x64xf32, #tpu.memory_space<vmem_shared>>
      %dma_start3A_202 = arith.constant 0 : i32
      %dma_start3A_203 = tpu.memref_slice %arg16[%add3A_10, %dma_start3A_202] : memref<10240x64xf32, #tpu.memory_space<vmem_shared>> -> memref<128x64xf32, #tpu.memory_space<vmem_shared>>
      tpu.enqueue_dma source(%arg10 : memref<128x64xf32, #tpu.memory_space<vmem>>) target(%dma_start3A_203 : memref<128x64xf32, #tpu.memory_space<vmem_shared>>) target_semaphore(%run_scoped3A : memref<!tpu.dma_semaphore, #tpu.memory_space<semaphore_mem>>)
      %dma_wait3A_204 = arith.constant 0 : i32
      %dma_wait3A_205 = tpu.memref_slice %arg16[%add3A_10, %dma_wait3A_204] : memref<10240x64xf32, #tpu.memory_space<vmem_shared>> -> memref<128x64xf32, #tpu.memory_space<vmem_shared>>
      %dma_wait3A_206 = arith.constant 0 : i32
      %dma_wait3A_207 = tpu.memref_slice %arg16[%add3A_10, %dma_wait3A_206] : memref<10240x64xf32, #tpu.memory_space<vmem_shared>> -> memref<128x64xf32, #tpu.memory_space<vmem_shared>>
      tpu.wait_dma2 semaphore(%run_scoped3A : memref<!tpu.dma_semaphore, #tpu.memory_space<semaphore_mem>>) src(%arg10 : memref<128x64xf32, #tpu.memory_space<vmem>>) dst(%dma_wait3A_207 : memref<128x64xf32, #tpu.memory_space<vmem_shared>>)
      tpu.yield
    }) : () -> ()
    %mul3A_11 = arith.constant 640 : i32
    %mul3A_12 = arith.muli %arg1, %mul3A_11 : i32
    %add3A_13 = arith.constant 256 : i32
    %add3A_14 = arith.addi %mul3A_12, %add3A_13 : i32
    "tpu.region"() ({
      %run_scoped3A = tpu.sem_alloc : memref<!tpu.dma_semaphore, #tpu.memory_space<semaphore_mem>>
      %dma_start3A_200 = arith.constant 0 : i32
      %dma_start3A_201 = tpu.memref_slice %arg16[%add3A_14, %dma_start3A_200] : memref<10240x64xf32, #tpu.memory_space<vmem_shared>> -> memref<128x64xf32, #tpu.memory_space<vmem_shared>>
      %dma_start3A_202 = arith.constant 0 : i32
      %dma_start3A_203 = tpu.memref_slice %arg16[%add3A_14, %dma_start3A_202] : memref<10240x64xf32, #tpu.memory_space<vmem_shared>> -> memref<128x64xf32, #tpu.memory_space<vmem_shared>>
      tpu.enqueue_dma source(%arg10 : memref<128x64xf32, #tpu.memory_space<vmem>>) target(%dma_start3A_203 : memref<128x64xf32, #tpu.memory_space<vmem_shared>>) target_semaphore(%run_scoped3A : memref<!tpu.dma_semaphore, #tpu.memory_space<semaphore_mem>>)
      %dma_wait3A_204 = arith.constant 0 : i32
      %dma_wait3A_205 = tpu.memref_slice %arg16[%add3A_14, %dma_wait3A_204] : memref<10240x64xf32, #tpu.memory_space<vmem_shared>> -> memref<128x64xf32, #tpu.memory_space<vmem_shared>>
      %dma_wait3A_206 = arith.constant 0 : i32
      %dma_wait3A_207 = tpu.memref_slice %arg16[%add3A_14, %dma_wait3A_206] : memref<10240x64xf32, #tpu.memory_space<vmem_shared>> -> memref<128x64xf32, #tpu.memory_space<vmem_shared>>
      tpu.wait_dma2 semaphore(%run_scoped3A : memref<!tpu.dma_semaphore, #tpu.memory_space<semaphore_mem>>) src(%arg10 : memref<128x64xf32, #tpu.memory_space<vmem>>) dst(%dma_wait3A_207 : memref<128x64xf32, #tpu.memory_space<vmem_shared>>)
      tpu.yield
    }) : () -> ()
    %mul3A_15 = arith.constant 640 : i32
    %mul3A_16 = arith.muli %arg1, %mul3A_15 : i32
    %add3A_17 = arith.constant 384 : i32
    %add3A_18 = arith.addi %mul3A_16, %add3A_17 : i32
    "tpu.region"() ({
      %run_scoped3A = tpu.sem_alloc : memref<!tpu.dma_semaphore, #tpu.memory_space<semaphore_mem>>
      %dma_start3A_200 = arith.constant 0 : i32
      %dma_start3A_201 = tpu.memref_slice %arg16[%add3A_18, %dma_start3A_200] : memref<10240x64xf32, #tpu.memory_space<vmem_shared>> -> memref<128x64xf32, #tpu.memory_space<vmem_shared>>
      %dma_start3A_202 = arith.constant 0 : i32
      %dma_start3A_203 = tpu.memref_slice %arg16[%add3A_18, %dma_start3A_202] : memref<10240x64xf32, #tpu.memory_space<vmem_shared>> -> memref<128x64xf32, #tpu.memory_space<vmem_shared>>
      tpu.enqueue_dma source(%arg10 : memref<128x64xf32, #tpu.memory_space<vmem>>) target(%dma_start3A_203 : memref<128x64xf32, #tpu.memory_space<vmem_shared>>) target_semaphore(%run_scoped3A : memref<!tpu.dma_semaphore, #tpu.memory_space<semaphore_mem>>)
      %dma_wait3A_204 = arith.constant 0 : i32
      %dma_wait3A_205 = tpu.memref_slice %arg16[%add3A_18, %dma_wait3A_204] : memref<10240x64xf32, #tpu.memory_space<vmem_shared>> -> memref<128x64xf32, #tpu.memory_space<vmem_shared>>
      %dma_wait3A_206 = arith.constant 0 : i32
      %dma_wait3A_207 = tpu.memref_slice %arg16[%add3A_18, %dma_wait3A_206] : memref<10240x64xf32, #tpu.memory_space<vmem_shared>> -> memref<128x64xf32, #tpu.memory_space<vmem_shared>>
      tpu.wait_dma2 semaphore(%run_scoped3A : memref<!tpu.dma_semaphore, #tpu.memory_space<semaphore_mem>>) src(%arg10 : memref<128x64xf32, #tpu.memory_space<vmem>>) dst(%dma_wait3A_207 : memref<128x64xf32, #tpu.memory_space<vmem_shared>>)
      tpu.yield
    }) : () -> ()
    %mul3A_19 = arith.constant 640 : i32
    %mul3A_20 = arith.muli %arg1, %mul3A_19 : i32
    %add3A_21 = arith.constant 512 : i32
    %add3A_22 = arith.addi %mul3A_20, %add3A_21 : i32
    "tpu.region"() ({
      %run_scoped3A = tpu.sem_alloc : memref<!tpu.dma_semaphore, #tpu.memory_space<semaphore_mem>>
      %dma_start3A_200 = arith.constant 0 : i32
      %dma_start3A_201 = tpu.memref_slice %arg16[%add3A_22, %dma_start3A_200] : memref<10240x64xf32, #tpu.memory_space<vmem_shared>> -> memref<128x64xf32, #tpu.memory_space<vmem_shared>>
      %dma_start3A_202 = arith.constant 0 : i32
      %dma_start3A_203 = tpu.memref_slice %arg16[%add3A_22, %dma_start3A_202] : memref<10240x64xf32, #tpu.memory_space<vmem_shared>> -> memref<128x64xf32, #tpu.memory_space<vmem_shared>>
      tpu.enqueue_dma source(%arg10 : memref<128x64xf32, #tpu.memory_space<vmem>>) target(%dma_start3A_203 : memref<128x64xf32, #tpu.memory_space<vmem_shared>>) target_semaphore(%run_scoped3A : memref<!tpu.dma_semaphore, #tpu.memory_space<semaphore_mem>>)
      %dma_wait3A_204 = arith.constant 0 : i32
      %dma_wait3A_205 = tpu.memref_slice %arg16[%add3A_22, %dma_wait3A_204] : memref<10240x64xf32, #tpu.memory_space<vmem_shared>> -> memref<128x64xf32, #tpu.memory_space<vmem_shared>>
      %dma_wait3A_206 = arith.constant 0 : i32
      %dma_wait3A_207 = tpu.memref_slice %arg16[%add3A_22, %dma_wait3A_206] : memref<10240x64xf32, #tpu.memory_space<vmem_shared>> -> memref<128x64xf32, #tpu.memory_space<vmem_shared>>
      tpu.wait_dma2 semaphore(%run_scoped3A : memref<!tpu.dma_semaphore, #tpu.memory_space<semaphore_mem>>) src(%arg10 : memref<128x64xf32, #tpu.memory_space<vmem>>) dst(%dma_wait3A_207 : memref<128x64xf32, #tpu.memory_space<vmem_shared>>)
      tpu.yield
    }) : () -> ()
    %barrier3A = arith.constant 0 : index
    tpu.barrier barrier_id(%barrier3A)
    %dma_start3A = arith.constant 0 : i32
    %dma_start3A_23 = arith.constant 0 : i32
    %dma_start3A_24 = tpu.memref_slice %arg6[%dma_start3A, %dma_start3A_23] : memref<160x128xi32, #tpu.memory_space<vmem>> -> memref<1x128xi32, #tpu.memory_space<vmem>>
    %dma_start3A_25 = tpu.memref_squeeze %dma_start3A_24 : memref<1x128xi32, #tpu.memory_space<vmem>> -> memref<128xi32, #tpu.memory_space<vmem>>
    %dma_start3A_26 = arith.constant 0 : i32
    %dma_start3A_27 = arith.constant 0 : i32
    %dma_start3A_28 = tpu.memref_slice %arg2[%arg0, %dma_start3A_26, %dma_start3A_27] : memref<2x10240x64xbf16, #tpu.memory_space<hbm>> -> memref<1x10240x64xbf16, #tpu.memory_space<hbm>>
    %dma_start3A_29 = tpu.memref_squeeze %dma_start3A_28 : memref<1x10240x64xbf16, #tpu.memory_space<hbm>> -> memref<10240x64xbf16, #tpu.memory_space<hbm>>
    %dma_start3A_30 = arith.constant 0 : i32
    %dma_start3A_31 = arith.constant 0 : i32
    %dma_start3A_32 = tpu.memref_slice %dma_start3A_29[%dma_start3A_30, %dma_start3A_31] : memref<10240x64xbf16, #tpu.memory_space<hbm>> -> memref<10240x64xbf16, #tpu.memory_space<hbm>>
    tpu.enqueue_indirect_dma source(%dma_start3A_32 : memref<10240x64xbf16, #tpu.memory_space<hbm>>) target(%arg8 : memref<128x64xbf16, #tpu.memory_space<vmem>>) offsets(%dma_start3A_25 : memref<128xi32, #tpu.memory_space<vmem>>) semaphore(%arg12 : memref<!tpu.dma_semaphore, #tpu.memory_space<semaphore_mem>>)
    %dma_start3A_33 = arith.constant 1 : i32
    %dma_start3A_34 = arith.constant 0 : i32
    %dma_start3A_35 = tpu.memref_slice %arg6[%dma_start3A_33, %dma_start3A_34] : memref<160x128xi32, #tpu.memory_space<vmem>> -> memref<1x128xi32, #tpu.memory_space<vmem>>
    %dma_start3A_36 = tpu.memref_squeeze %dma_start3A_35 : memref<1x128xi32, #tpu.memory_space<vmem>> -> memref<128xi32, #tpu.memory_space<vmem>>
    %dma_start3A_37 = arith.constant 0 : i32
    %dma_start3A_38 = arith.constant 0 : i32
    %dma_start3A_39 = tpu.memref_slice %arg2[%arg0, %dma_start3A_37, %dma_start3A_38] : memref<2x10240x64xbf16, #tpu.memory_space<hbm>> -> memref<1x10240x64xbf16, #tpu.memory_space<hbm>>
    %dma_start3A_40 = tpu.memref_squeeze %dma_start3A_39 : memref<1x10240x64xbf16, #tpu.memory_space<hbm>> -> memref<10240x64xbf16, #tpu.memory_space<hbm>>
    %dma_start3A_41 = arith.constant 0 : i32
    %dma_start3A_42 = arith.constant 0 : i32
    %dma_start3A_43 = tpu.memref_slice %dma_start3A_40[%dma_start3A_41, %dma_start3A_42] : memref<10240x64xbf16, #tpu.memory_space<hbm>> -> memref<10240x64xbf16, #tpu.memory_space<hbm>>
    tpu.enqueue_indirect_dma source(%dma_start3A_43 : memref<10240x64xbf16, #tpu.memory_space<hbm>>) target(%arg9 : memref<128x64xbf16, #tpu.memory_space<vmem>>) offsets(%dma_start3A_36 : memref<128xi32, #tpu.memory_space<vmem>>) semaphore(%arg13 : memref<!tpu.dma_semaphore, #tpu.memory_space<semaphore_mem>>)
    %dma_wait3A = arith.constant 0 : i32
    %dma_wait3A_44 = arith.constant 0 : i32
    %dma_wait3A_45 = tpu.memref_slice %arg6[%dma_wait3A, %dma_wait3A_44] : memref<160x128xi32, #tpu.memory_space<vmem>> -> memref<1x128xi32, #tpu.memory_space<vmem>>
    %dma_wait3A_46 = tpu.memref_squeeze %dma_wait3A_45 : memref<1x128xi32, #tpu.memory_space<vmem>> -> memref<128xi32, #tpu.memory_space<vmem>>
    %dma_wait3A_47 = arith.constant 0 : i32
    %dma_wait3A_48 = arith.constant 0 : i32
    %dma_wait3A_49 = tpu.memref_slice %arg2[%arg0, %dma_wait3A_47, %dma_wait3A_48] : memref<2x10240x64xbf16, #tpu.memory_space<hbm>> -> memref<1x10240x64xbf16, #tpu.memory_space<hbm>>
    %dma_wait3A_50 = tpu.memref_squeeze %dma_wait3A_49 : memref<1x10240x64xbf16, #tpu.memory_space<hbm>> -> memref<10240x64xbf16, #tpu.memory_space<hbm>>
    %dma_wait3A_51 = arith.constant 0 : i32
    %dma_wait3A_52 = arith.constant 0 : i32
    %dma_wait3A_53 = tpu.memref_slice %dma_wait3A_50[%dma_wait3A_51, %dma_wait3A_52] : memref<10240x64xbf16, #tpu.memory_space<hbm>> -> memref<10240x64xbf16, #tpu.memory_space<hbm>>
    tpu.wait_indirect_dma semaphore(%arg12 : memref<!tpu.dma_semaphore, #tpu.memory_space<semaphore_mem>>) src(%dma_wait3A_53 : memref<10240x64xbf16, #tpu.memory_space<hbm>>) dst(%arg8 : memref<128x64xbf16, #tpu.memory_space<vmem>>)
    %scan3A_54 = arith.constant 0 : i32
    %scan3A_55 = arith.constant 0 : i32
    %scan3A_56 = arith.constant 128 : i32
    %scan3A_57 = arith.addi %scan3A_55, %scan3A_56 : i32
    %scan3A_58 = arith.constant 2 : i32
    scf.for %scan3A_200 = %scan3A_55 to %scan3A_57 step %scan3A_58  : i32 {
      %get3A = arith.index_cast %scan3A_200 : i32 to index
      %get3A_201 = arith.constant 0 : index
      %get3A_202 = tpu.vector_load %arg8[%get3A, %get3A_201] {strides = array<i32>} : memref<128x64xbf16, #tpu.memory_space<vmem>>, vector<32xbf16>,
      %unpack3A = tpu.unpack_subelements %get3A_202, 0 {pack_format = #tpu.pack_format<interleaved>} : vector<32xbf16> -> vector<16xf32>
      %unpack3A_203 = tpu.unpack_subelements %get3A_202, 1 {pack_format = #tpu.pack_format<interleaved>} : vector<32xbf16> -> vector<16xf32>
      %swap3A = arith.index_cast %scan3A_200 : i32 to index
      %swap3A_204 = arith.constant 0 : index
      %swap3A_205 = tpu.vector_load %arg10[%swap3A, %swap3A_204] {strides = array<i32>} : memref<128x64xf32, #tpu.memory_space<vmem>>, vector<16xf32>,
      tpu.vector_store %arg10[%swap3A, %swap3A_204], %unpack3A {strides = array<i32>} : memref<128x64xf32, #tpu.memory_space<vmem>>, vector<16xf32>,
      %swap3A_206 = arith.index_cast %scan3A_200 : i32 to index
      %swap3A_207 = arith.constant 16 : index
      %swap3A_208 = tpu.vector_load %arg10[%swap3A_206, %swap3A_207] {strides = array<i32>} : memref<128x64xf32, #tpu.memory_space<vmem>>, vector<16xf32>,
      tpu.vector_store %arg10[%swap3A_206, %swap3A_207], %unpack3A_203 {strides = array<i32>} : memref<128x64xf32, #tpu.memory_space<vmem>>, vector<16xf32>,
      %get3A_209 = arith.index_cast %scan3A_200 : i32 to index
      %get3A_210 = arith.constant 32 : index
      %get3A_211 = tpu.vector_load %arg8[%get3A_209, %get3A_210] {strides = array<i32>} : memref<128x64xbf16, #tpu.memory_space<vmem>>, vector<32xbf16>,
      %unpack3A_212 = tpu.unpack_subelements %get3A_211, 0 {pack_format = #tpu.pack_format<interleaved>} : vector<32xbf16> -> vector<16xf32>
      %unpack3A_213 = tpu.unpack_subelements %get3A_211, 1 {pack_format = #tpu.pack_format<interleaved>} : vector<32xbf16> -> vector<16xf32>
      %swap3A_214 = arith.index_cast %scan3A_200 : i32 to index
      %swap3A_215 = arith.constant 32 : index
      %swap3A_216 = tpu.vector_load %arg10[%swap3A_214, %swap3A_215] {strides = array<i32>} : memref<128x64xf32, #tpu.memory_space<vmem>>, vector<16xf32>,
      tpu.vector_store %arg10[%swap3A_214, %swap3A_215], %unpack3A_212 {strides = array<i32>} : memref<128x64xf32, #tpu.memory_space<vmem>>, vector<16xf32>,
      %swap3A_217 = arith.index_cast %scan3A_200 : i32 to index
      %swap3A_218 = arith.constant 48 : index
      %swap3A_219 = tpu.vector_load %arg10[%swap3A_217, %swap3A_218] {strides = array<i32>} : memref<128x64xf32, #tpu.memory_space<vmem>>, vector<16xf32>,
      tpu.vector_store %arg10[%swap3A_217, %swap3A_218], %unpack3A_213 {strides = array<i32>} : memref<128x64xf32, #tpu.memory_space<vmem>>, vector<16xf32>,
      %scan3A_220 = arith.constant 1 : i32
      %scan3A_221 = arith.addi %scan3A_200, %scan3A_220 : i32
      %get3A_222 = arith.index_cast %scan3A_221 : i32 to index
      %get3A_223 = arith.constant 0 : index
      %get3A_224 = tpu.vector_load %arg8[%get3A_222, %get3A_223] {strides = array<i32>} : memref<128x64xbf16, #tpu.memory_space<vmem>>, vector<32xbf16>,
      %unpack3A_225 = tpu.unpack_subelements %get3A_224, 0 {pack_format = #tpu.pack_format<interleaved>} : vector<32xbf16> -> vector<16xf32>
      %unpack3A_226 = tpu.unpack_subelements %get3A_224, 1 {pack_format = #tpu.pack_format<interleaved>} : vector<32xbf16> -> vector<16xf32>
      %swap3A_227 = arith.index_cast %scan3A_221 : i32 to index
      %swap3A_228 = arith.constant 0 : index
      %swap3A_229 = tpu.vector_load %arg10[%swap3A_227, %swap3A_228] {strides = array<i32>} : memref<128x64xf32, #tpu.memory_space<vmem>>, vector<16xf32>,
      tpu.vector_store %arg10[%swap3A_227, %swap3A_228], %unpack3A_225 {strides = array<i32>} : memref<128x64xf32, #tpu.memory_space<vmem>>, vector<16xf32>,
      %swap3A_230 = arith.index_cast %scan3A_221 : i32 to index
      %swap3A_231 = arith.constant 16 : index
      %swap3A_232 = tpu.vector_load %arg10[%swap3A_230, %swap3A_231] {strides = array<i32>} : memref<128x64xf32, #tpu.memory_space<vmem>>, vector<16xf32>,
      tpu.vector_store %arg10[%swap3A_230, %swap3A_231], %unpack3A_226 {strides = array<i32>} : memref<128x64xf32, #tpu.memory_space<vmem>>, vector<16xf32>,
      %get3A_233 = arith.index_cast %scan3A_221 : i32 to index
      %get3A_234 = arith.constant 32 : index
      %get3A_235 = tpu.vector_load %arg8[%get3A_233, %get3A_234] {strides = array<i32>} : memref<128x64xbf16, #tpu.memory_space<vmem>>, vector<32xbf16>,
      %unpack3A_236 = tpu.unpack_subelements %get3A_235, 0 {pack_format = #tpu.pack_format<interleaved>} : vector<32xbf16> -> vector<16xf32>
      %unpack3A_237 = tpu.unpack_subelements %get3A_235, 1 {pack_format = #tpu.pack_format<interleaved>} : vector<32xbf16> -> vector<16xf32>
      %swap3A_238 = arith.index_cast %scan3A_221 : i32 to index
      %swap3A_239 = arith.constant 32 : index
      %swap3A_240 = tpu.vector_load %arg10[%swap3A_238, %swap3A_239] {strides = array<i32>} : memref<128x64xf32, #tpu.memory_space<vmem>>, vector<16xf32>,
      tpu.vector_store %arg10[%swap3A_238, %swap3A_239], %unpack3A_236 {strides = array<i32>} : memref<128x64xf32, #tpu.memory_space<vmem>>, vector<16xf32>,
      %swap3A_241 = arith.index_cast %scan3A_221 : i32 to index
      %swap3A_242 = arith.constant 48 : index
      %swap3A_243 = tpu.vector_load %arg10[%swap3A_241, %swap3A_242] {strides = array<i32>} : memref<128x64xf32, #tpu.memory_space<vmem>>, vector<16xf32>,
      tpu.vector_store %arg10[%swap3A_241, %swap3A_242], %unpack3A_237 {strides = array<i32>} : memref<128x64xf32, #tpu.memory_space<vmem>>, vector<16xf32>,
    }
    %scan3A_59 = arith.constant 128 : i32
    %dma_start3A_60 = arith.constant 2 : i32
    %dma_start3A_61 = arith.constant 0 : i32
    %dma_start3A_62 = tpu.memref_slice %arg6[%dma_start3A_60, %dma_start3A_61] : memref<160x128xi32, #tpu.memory_space<vmem>> -> memref<1x128xi32, #tpu.memory_space<vmem>>
    %dma_start3A_63 = tpu.memref_squeeze %dma_start3A_62 : memref<1x128xi32, #tpu.memory_space<vmem>> -> memref<128xi32, #tpu.memory_space<vmem>>
    %dma_start3A_64 = arith.constant 0 : i32
    %dma_start3A_65 = arith.constant 0 : i32
    %dma_start3A_66 = tpu.memref_slice %arg2[%arg0, %dma_start3A_64, %dma_start3A_65] : memref<2x10240x64xbf16, #tpu.memory_space<hbm>> -> memref<1x10240x64xbf16, #tpu.memory_space<hbm>>
    %dma_start3A_67 = tpu.memref_squeeze %dma_start3A_66 : memref<1x10240x64xbf16, #tpu.memory_space<hbm>> -> memref<10240x64xbf16, #tpu.memory_space<hbm>>
    %dma_start3A_68 = arith.constant 0 : i32
    %dma_start3A_69 = arith.constant 0 : i32
    %dma_start3A_70 = tpu.memref_slice %dma_start3A_67[%dma_start3A_68, %dma_start3A_69] : memref<10240x64xbf16, #tpu.memory_space<hbm>> -> memref<10240x64xbf16, #tpu.memory_space<hbm>>
    tpu.enqueue_indirect_dma source(%dma_start3A_70 : memref<10240x64xbf16, #tpu.memory_space<hbm>>) target(%arg8 : memref<128x64xbf16, #tpu.memory_space<vmem>>) offsets(%dma_start3A_63 : memref<128xi32, #tpu.memory_space<vmem>>) semaphore(%arg12 : memref<!tpu.dma_semaphore, #tpu.memory_space<semaphore_mem>>)
    %dma_start3A_71 = arith.constant 0 : i32
    %dma_start3A_72 = arith.constant 0 : i32
    %dma_start3A_73 = tpu.memref_slice %arg7[%dma_start3A_71, %dma_start3A_72] : memref<160x128xi32, #tpu.memory_space<vmem>> -> memref<1x128xi32, #tpu.memory_space<vmem>>
    %dma_start3A_74 = tpu.memref_squeeze %dma_start3A_73 : memref<1x128xi32, #tpu.memory_space<vmem>> -> memref<128xi32, #tpu.memory_space<vmem>>
    %dma_start3A_75 = arith.constant 0 : i32
    %dma_start3A_76 = arith.constant 0 : i32
    %dma_start3A_77 = tpu.memref_slice %arg16[%dma_start3A_75, %dma_start3A_76] : memref<10240x64xf32, #tpu.memory_space<vmem_shared>> -> memref<10240x64xf32, #tpu.memory_space<vmem_shared>>
    tpu.enqueue_indirect_dma source(%arg10 : memref<128x64xf32, #tpu.memory_space<vmem>>) target(%dma_start3A_77 : memref<10240x64xf32, #tpu.memory_space<vmem_shared>>) offsets(%dma_start3A_74 : memref<128xi32, #tpu.memory_space<vmem>>) semaphore(%arg14 : memref<!tpu.dma_semaphore, #tpu.memory_space<semaphore_mem>>) {add = true}
    %dma_wait3A_78 = arith.constant 1 : i32
    %dma_wait3A_79 = arith.constant 0 : i32
    %dma_wait3A_80 = tpu.memref_slice %arg6[%dma_wait3A_78, %dma_wait3A_79] : memref<160x128xi32, #tpu.memory_space<vmem>> -> memref<1x128xi32, #tpu.memory_space<vmem>>
    %dma_wait3A_81 = tpu.memref_squeeze %dma_wait3A_80 : memref<1x128xi32, #tpu.memory_space<vmem>> -> memref<128xi32, #tpu.memory_space<vmem>>
    %dma_wait3A_82 = arith.constant 0 : i32
    %dma_wait3A_83 = arith.constant 0 : i32
    %dma_wait3A_84 = tpu.memref_slice %arg2[%arg0, %dma_wait3A_82, %dma_wait3A_83] : memref<2x10240x64xbf16, #tpu.memory_space<hbm>> -> memref<1x10240x64xbf16, #tpu.memory_space<hbm>>
    %dma_wait3A_85 = tpu.memref_squeeze %dma_wait3A_84 : memref<1x10240x64xbf16, #tpu.memory_space<hbm>> -> memref<10240x64xbf16, #tpu.memory_space<hbm>>
    %dma_wait3A_86 = arith.constant 0 : i32
    %dma_wait3A_87 = arith.constant 0 : i32
    %dma_wait3A_88 = tpu.memref_slice %dma_wait3A_85[%dma_wait3A_86, %dma_wait3A_87] : memref<10240x64xbf16, #tpu.memory_space<hbm>> -> memref<10240x64xbf16, #tpu.memory_space<hbm>>
    tpu.wait_indirect_dma semaphore(%arg13 : memref<!tpu.dma_semaphore, #tpu.memory_space<semaphore_mem>>) src(%dma_wait3A_88 : memref<10240x64xbf16, #tpu.memory_space<hbm>>) dst(%arg9 : memref<128x64xbf16, #tpu.memory_space<vmem>>)
    %scan3A_89 = arith.constant 0 : i32
    %scan3A_90 = arith.constant 0 : i32
    %scan3A_91 = arith.constant 128 : i32
    %scan3A_92 = arith.addi %scan3A_90, %scan3A_91 : i32
    %scan3A_93 = arith.constant 2 : i32
    scf.for %scan3A_200 = %scan3A_90 to %scan3A_92 step %scan3A_93  : i32 {
      %get3A = arith.index_cast %scan3A_200 : i32 to index
      %get3A_201 = arith.constant 0 : index
      %get3A_202 = tpu.vector_load %arg9[%get3A, %get3A_201] {strides = array<i32>} : memref<128x64xbf16, #tpu.memory_space<vmem>>, vector<32xbf16>,
      %unpack3A = tpu.unpack_subelements %get3A_202, 0 {pack_format = #tpu.pack_format<interleaved>} : vector<32xbf16> -> vector<16xf32>
      %unpack3A_203 = tpu.unpack_subelements %get3A_202, 1 {pack_format = #tpu.pack_format<interleaved>} : vector<32xbf16> -> vector<16xf32>
      %swap3A = arith.index_cast %scan3A_200 : i32 to index
      %swap3A_204 = arith.constant 0 : index
      %swap3A_205 = tpu.vector_load %arg11[%swap3A, %swap3A_204] {strides = array<i32>} : memref<128x64xf32, #tpu.memory_space<vmem>>, vector<16xf32>,
      tpu.vector_store %arg11[%swap3A, %swap3A_204], %unpack3A {strides = array<i32>} : memref<128x64xf32, #tpu.memory_space<vmem>>, vector<16xf32>,
      %swap3A_206 = arith.index_cast %scan3A_200 : i32 to index
      %swap3A_207 = arith.constant 16 : index
      %swap3A_208 = tpu.vector_load %arg11[%swap3A_206, %swap3A_207] {strides = array<i32>} : memref<128x64xf32, #tpu.memory_space<vmem>>, vector<16xf32>,
      tpu.vector_store %arg11[%swap3A_206, %swap3A_207], %unpack3A_203 {strides = array<i32>} : memref<128x64xf32, #tpu.memory_space<vmem>>, vector<16xf32>,
      %get3A_209 = arith.index_cast %scan3A_200 : i32 to index
      %get3A_210 = arith.constant 32 : index
      %get3A_211 = tpu.vector_load %arg9[%get3A_209, %get3A_210] {strides = array<i32>} : memref<128x64xbf16, #tpu.memory_space<vmem>>, vector<32xbf16>,
      %unpack3A_212 = tpu.unpack_subelements %get3A_211, 0 {pack_format = #tpu.pack_format<interleaved>} : vector<32xbf16> -> vector<16xf32>
      %unpack3A_213 = tpu.unpack_subelements %get3A_211, 1 {pack_format = #tpu.pack_format<interleaved>} : vector<32xbf16> -> vector<16xf32>
      %swap3A_214 = arith.index_cast %scan3A_200 : i32 to index
      %swap3A_215 = arith.constant 32 : index
      %swap3A_216 = tpu.vector_load %arg11[%swap3A_214, %swap3A_215] {strides = array<i32>} : memref<128x64xf32, #tpu.memory_space<vmem>>, vector<16xf32>,
      tpu.vector_store %arg11[%swap3A_214, %swap3A_215], %unpack3A_212 {strides = array<i32>} : memref<128x64xf32, #tpu.memory_space<vmem>>, vector<16xf32>,
      %swap3A_217 = arith.index_cast %scan3A_200 : i32 to index
      %swap3A_218 = arith.constant 48 : index
      %swap3A_219 = tpu.vector_load %arg11[%swap3A_217, %swap3A_218] {strides = array<i32>} : memref<128x64xf32, #tpu.memory_space<vmem>>, vector<16xf32>,
      tpu.vector_store %arg11[%swap3A_217, %swap3A_218], %unpack3A_213 {strides = array<i32>} : memref<128x64xf32, #tpu.memory_space<vmem>>, vector<16xf32>,
      %scan3A_220 = arith.constant 1 : i32
      %scan3A_221 = arith.addi %scan3A_200, %scan3A_220 : i32
      %get3A_222 = arith.index_cast %scan3A_221 : i32 to index
      %get3A_223 = arith.constant 0 : index
      %get3A_224 = tpu.vector_load %arg9[%get3A_222, %get3A_223] {strides = array<i32>} : memref<128x64xbf16, #tpu.memory_space<vmem>>, vector<32xbf16>,
      %unpack3A_225 = tpu.unpack_subelements %get3A_224, 0 {pack_format = #tpu.pack_format<interleaved>} : vector<32xbf16> -> vector<16xf32>
      %unpack3A_226 = tpu.unpack_subelements %get3A_224, 1 {pack_format = #tpu.pack_format<interleaved>} : vector<32xbf16> -> vector<16xf32>
      %swap3A_227 = arith.index_cast %scan3A_221 : i32 to index
      %swap3A_228 = arith.constant 0 : index
      %swap3A_229 = tpu.vector_load %arg11[%swap3A_227, %swap3A_228] {strides = array<i32>} : memref<128x64xf32, #tpu.memory_space<vmem>>, vector<16xf32>,
      tpu.vector_store %arg11[%swap3A_227, %swap3A_228], %unpack3A_225 {strides = array<i32>} : memref<128x64xf32, #tpu.memory_space<vmem>>, vector<16xf32>,
      %swap3A_230 = arith.index_cast %scan3A_221 : i32 to index
      %swap3A_231 = arith.constant 16 : index
      %swap3A_232 = tpu.vector_load %arg11[%swap3A_230, %swap3A_231] {strides = array<i32>} : memref<128x64xf32, #tpu.memory_space<vmem>>, vector<16xf32>,
      tpu.vector_store %arg11[%swap3A_230, %swap3A_231], %unpack3A_226 {strides = array<i32>} : memref<128x64xf32, #tpu.memory_space<vmem>>, vector<16xf32>,
      %get3A_233 = arith.index_cast %scan3A_221 : i32 to index
      %get3A_234 = arith.constant 32 : index
      %get3A_235 = tpu.vector_load %arg9[%get3A_233, %get3A_234] {strides = array<i32>} : memref<128x64xbf16, #tpu.memory_space<vmem>>, vector<32xbf16>,
      %unpack3A_236 = tpu.unpack_subelements %get3A_235, 0 {pack_format = #tpu.pack_format<interleaved>} : vector<32xbf16> -> vector<16xf32>
      %unpack3A_237 = tpu.unpack_subelements %get3A_235, 1 {pack_format = #tpu.pack_format<interleaved>} : vector<32xbf16> -> vector<16xf32>
      %swap3A_238 = arith.index_cast %scan3A_221 : i32 to index
      %swap3A_239 = arith.constant 32 : index
      %swap3A_240 = tpu.vector_load %arg11[%swap3A_238, %swap3A_239] {strides = array<i32>} : memref<128x64xf32, #tpu.memory_space<vmem>>, vector<16xf32>,
      tpu.vector_store %arg11[%swap3A_238, %swap3A_239], %unpack3A_236 {strides = array<i32>} : memref<128x64xf32, #tpu.memory_space<vmem>>, vector<16xf32>,
      %swap3A_241 = arith.index_cast %scan3A_221 : i32 to index
      %swap3A_242 = arith.constant 48 : index
      %swap3A_243 = tpu.vector_load %arg11[%swap3A_241, %swap3A_242] {strides = array<i32>} : memref<128x64xf32, #tpu.memory_space<vmem>>, vector<16xf32>,
      tpu.vector_store %arg11[%swap3A_241, %swap3A_242], %unpack3A_237 {strides = array<i32>} : memref<128x64xf32, #tpu.memory_space<vmem>>, vector<16xf32>,
    }
    %scan3A_94 = arith.constant 128 : i32
    %dma_start3A_95 = arith.constant 3 : i32
    %dma_start3A_96 = arith.constant 0 : i32
    %dma_start3A_97 = tpu.memref_slice %arg6[%dma_start3A_95, %dma_start3A_96] : memref<160x128xi32, #tpu.memory_space<vmem>> -> memref<1x128xi32, #tpu.memory_space<vmem>>
    %dma_start3A_98 = tpu.memref_squeeze %dma_start3A_97 : memref<1x128xi32, #tpu.memory_space<vmem>> -> memref<128xi32, #tpu.memory_space<vmem>>
    %dma_start3A_99 = arith.constant 0 : i32
    %dma_start3A_100 = arith.constant 0 : i32
    %dma_start3A_101 = tpu.memref_slice %arg2[%arg0, %dma_start3A_99, %dma_start3A_100] : memref<2x10240x64xbf16, #tpu.memory_space<hbm>> -> memref<1x10240x64xbf16, #tpu.memory_space<hbm>>
    %dma_start3A_102 = tpu.memref_squeeze %dma_start3A_101 : memref<1x10240x64xbf16, #tpu.memory_space<hbm>> -> memref<10240x64xbf16, #tpu.memory_space<hbm>>
    %dma_start3A_103 = arith.constant 0 : i32
    %dma_start3A_104 = arith.constant 0 : i32
    %dma_start3A_105 = tpu.memref_slice %dma_start3A_102[%dma_start3A_103, %dma_start3A_104] : memref<10240x64xbf16, #tpu.memory_space<hbm>> -> memref<10240x64xbf16, #tpu.memory_space<hbm>>
    tpu.enqueue_indirect_dma source(%dma_start3A_105 : memref<10240x64xbf16, #tpu.memory_space<hbm>>) target(%arg9 : memref<128x64xbf16, #tpu.memory_space<vmem>>) offsets(%dma_start3A_98 : memref<128xi32, #tpu.memory_space<vmem>>) semaphore(%arg13 : memref<!tpu.dma_semaphore, #tpu.memory_space<semaphore_mem>>)
    %dma_start3A_106 = arith.constant 1 : i32
    %dma_start3A_107 = arith.constant 0 : i32
    %dma_start3A_108 = tpu.memref_slice %arg7[%dma_start3A_106, %dma_start3A_107] : memref<160x128xi32, #tpu.memory_space<vmem>> -> memref<1x128xi32, #tpu.memory_space<vmem>>
    %dma_start3A_109 = tpu.memref_squeeze %dma_start3A_108 : memref<1x128xi32, #tpu.memory_space<vmem>> -> memref<128xi32, #tpu.memory_space<vmem>>
    %dma_start3A_110 = arith.constant 0 : i32
    %dma_start3A_111 = arith.constant 0 : i32
    %dma_start3A_112 = tpu.memref_slice %arg16[%dma_start3A_110, %dma_start3A_111] : memref<10240x64xf32, #tpu.memory_space<vmem_shared>> -> memref<10240x64xf32, #tpu.memory_space<vmem_shared>>
    tpu.enqueue_indirect_dma source(%arg11 : memref<128x64xf32, #tpu.memory_space<vmem>>) target(%dma_start3A_112 : memref<10240x64xf32, #tpu.memory_space<vmem_shared>>) offsets(%dma_start3A_109 : memref<128xi32, #tpu.memory_space<vmem>>) semaphore(%arg15 : memref<!tpu.dma_semaphore, #tpu.memory_space<semaphore_mem>>) {add = true}
    %scan3A_113 = arith.constant 0 : i32
    %scan3A_114 = arith.constant 1 : i32
    %scan3A_115 = arith.constant 78 : i32
    %scan3A_116 = arith.addi %scan3A_114, %scan3A_115 : i32
    %scan3A_117 = arith.constant 1 : i32
    scf.for %scan3A_200 = %scan3A_114 to %scan3A_116 step %scan3A_117  : i32 {
      %mul3A_201 = arith.constant 2 : i32
      %mul3A_202 = arith.muli %mul3A_201, %scan3A_200 : i32
      %dma_wait3A_203 = arith.constant 0 : i32
      %dma_wait3A_204 = tpu.memref_slice %arg6[%mul3A_202, %dma_wait3A_203] : memref<160x128xi32, #tpu.memory_space<vmem>> -> memref<1x128xi32, #tpu.memory_space<vmem>>
      %dma_wait3A_205 = tpu.memref_squeeze %dma_wait3A_204 : memref<1x128xi32, #tpu.memory_space<vmem>> -> memref<128xi32, #tpu.memory_space<vmem>>
      %dma_wait3A_206 = arith.constant 0 : i32
      %dma_wait3A_207 = arith.constant 0 : i32
      %dma_wait3A_208 = tpu.memref_slice %arg2[%arg0, %dma_wait3A_206, %dma_wait3A_207] : memref<2x10240x64xbf16, #tpu.memory_space<hbm>> -> memref<1x10240x64xbf16, #tpu.memory_space<hbm>>
      %dma_wait3A_209 = tpu.memref_squeeze %dma_wait3A_208 : memref<1x10240x64xbf16, #tpu.memory_space<hbm>> -> memref<10240x64xbf16, #tpu.memory_space<hbm>>
      %dma_wait3A_210 = arith.constant 0 : i32
      %dma_wait3A_211 = arith.constant 0 : i32
      %dma_wait3A_212 = tpu.memref_slice %dma_wait3A_209[%dma_wait3A_210, %dma_wait3A_211] : memref<10240x64xbf16, #tpu.memory_space<hbm>> -> memref<10240x64xbf16, #tpu.memory_space<hbm>>
      tpu.wait_indirect_dma semaphore(%arg12 : memref<!tpu.dma_semaphore, #tpu.memory_space<semaphore_mem>>) src(%dma_wait3A_212 : memref<10240x64xbf16, #tpu.memory_space<hbm>>) dst(%arg8 : memref<128x64xbf16, #tpu.memory_space<vmem>>)
      %sub3A = arith.constant 2 : i32
      %sub3A_213 = arith.subi %mul3A_202, %sub3A : i32
      %dma_wait3A_214 = arith.constant 0 : i32
      %dma_wait3A_215 = tpu.memref_slice %arg7[%sub3A_213, %dma_wait3A_214] : memref<160x128xi32, #tpu.memory_space<vmem>> -> memref<1x128xi32, #tpu.memory_space<vmem>>
      %dma_wait3A_216 = tpu.memref_squeeze %dma_wait3A_215 : memref<1x128xi32, #tpu.memory_space<vmem>> -> memref<128xi32, #tpu.memory_space<vmem>>
      %dma_wait3A_217 = arith.constant 0 : i32
      %dma_wait3A_218 = arith.constant 0 : i32
      %dma_wait3A_219 = tpu.memref_slice %arg16[%dma_wait3A_217, %dma_wait3A_218] : memref<10240x64xf32, #tpu.memory_space<vmem_shared>> -> memref<10240x64xf32, #tpu.memory_space<vmem_shared>>
      tpu.wait_indirect_dma semaphore(%arg14 : memref<!tpu.dma_semaphore, #tpu.memory_space<semaphore_mem>>) src(%arg10 : memref<128x64xf32, #tpu.memory_space<vmem>>) dst(%dma_wait3A_219 : memref<10240x64xf32, #tpu.memory_space<vmem_shared>>)
      %scan3A_220 = arith.constant 0 : i32
      %scan3A_221 = arith.constant 0 : i32
      %scan3A_222 = arith.constant 128 : i32
      %scan3A_223 = arith.addi %scan3A_221, %scan3A_222 : i32
      %scan3A_224 = arith.constant 2 : i32
      scf.for %scan3A_288 = %scan3A_221 to %scan3A_223 step %scan3A_224  : i32 {
        %get3A = arith.index_cast %scan3A_288 : i32 to index
        %get3A_289 = arith.constant 0 : index
        %get3A_290 = tpu.vector_load %arg8[%get3A, %get3A_289] {strides = array<i32>} : memref<128x64xbf16, #tpu.memory_space<vmem>>, vector<32xbf16>,
        %unpack3A = tpu.unpack_subelements %get3A_290, 0 {pack_format = #tpu.pack_format<interleaved>} : vector<32xbf16> -> vector<16xf32>
        %unpack3A_291 = tpu.unpack_subelements %get3A_290, 1 {pack_format = #tpu.pack_format<interleaved>} : vector<32xbf16> -> vector<16xf32>
        %swap3A = arith.index_cast %scan3A_288 : i32 to index
        %swap3A_292 = arith.constant 0 : index
        %swap3A_293 = tpu.vector_load %arg10[%swap3A, %swap3A_292] {strides = array<i32>} : memref<128x64xf32, #tpu.memory_space<vmem>>, vector<16xf32>,
        tpu.vector_store %arg10[%swap3A, %swap3A_292], %unpack3A {strides = array<i32>} : memref<128x64xf32, #tpu.memory_space<vmem>>, vector<16xf32>,
        %swap3A_294 = arith.index_cast %scan3A_288 : i32 to index
        %swap3A_295 = arith.constant 16 : index
        %swap3A_296 = tpu.vector_load %arg10[%swap3A_294, %swap3A_295] {strides = array<i32>} : memref<128x64xf32, #tpu.memory_space<vmem>>, vector<16xf32>,
        tpu.vector_store %arg10[%swap3A_294, %swap3A_295], %unpack3A_291 {strides = array<i32>} : memref<128x64xf32, #tpu.memory_space<vmem>>, vector<16xf32>,
        %get3A_297 = arith.index_cast %scan3A_288 : i32 to index
        %get3A_298 = arith.constant 32 : index
        %get3A_299 = tpu.vector_load %arg8[%get3A_297, %get3A_298] {strides = array<i32>} : memref<128x64xbf16, #tpu.memory_space<vmem>>, vector<32xbf16>,
        %unpack3A_300 = tpu.unpack_subelements %get3A_299, 0 {pack_format = #tpu.pack_format<interleaved>} : vector<32xbf16> -> vector<16xf32>
        %unpack3A_301 = tpu.unpack_subelements %get3A_299, 1 {pack_format = #tpu.pack_format<interleaved>} : vector<32xbf16> -> vector<16xf32>
        %swap3A_302 = arith.index_cast %scan3A_288 : i32 to index
        %swap3A_303 = arith.constant 32 : index
        %swap3A_304 = tpu.vector_load %arg10[%swap3A_302, %swap3A_303] {strides = array<i32>} : memref<128x64xf32, #tpu.memory_space<vmem>>, vector<16xf32>,
        tpu.vector_store %arg10[%swap3A_302, %swap3A_303], %unpack3A_300 {strides = array<i32>} : memref<128x64xf32, #tpu.memory_space<vmem>>, vector<16xf32>,
        %swap3A_305 = arith.index_cast %scan3A_288 : i32 to index
        %swap3A_306 = arith.constant 48 : index
        %swap3A_307 = tpu.vector_load %arg10[%swap3A_305, %swap3A_306] {strides = array<i32>} : memref<128x64xf32, #tpu.memory_space<vmem>>, vector<16xf32>,
        tpu.vector_store %arg10[%swap3A_305, %swap3A_306], %unpack3A_301 {strides = array<i32>} : memref<128x64xf32, #tpu.memory_space<vmem>>, vector<16xf32>,
        %scan3A_308 = arith.constant 1 : i32
        %scan3A_309 = arith.addi %scan3A_288, %scan3A_308 : i32
        %get3A_310 = arith.index_cast %scan3A_309 : i32 to index
        %get3A_311 = arith.constant 0 : index
        %get3A_312 = tpu.vector_load %arg8[%get3A_310, %get3A_311] {strides = array<i32>} : memref<128x64xbf16, #tpu.memory_space<vmem>>, vector<32xbf16>,
        %unpack3A_313 = tpu.unpack_subelements %get3A_312, 0 {pack_format = #tpu.pack_format<interleaved>} : vector<32xbf16> -> vector<16xf32>
        %unpack3A_314 = tpu.unpack_subelements %get3A_312, 1 {pack_format = #tpu.pack_format<interleaved>} : vector<32xbf16> -> vector<16xf32>
        %swap3A_315 = arith.index_cast %scan3A_309 : i32 to index
        %swap3A_316 = arith.constant 0 : index
        %swap3A_317 = tpu.vector_load %arg10[%swap3A_315, %swap3A_316] {strides = array<i32>} : memref<128x64xf32, #tpu.memory_space<vmem>>, vector<16xf32>,
        tpu.vector_store %arg10[%swap3A_315, %swap3A_316], %unpack3A_313 {strides = array<i32>} : memref<128x64xf32, #tpu.memory_space<vmem>>, vector<16xf32>,
        %swap3A_318 = arith.index_cast %scan3A_309 : i32 to index
        %swap3A_319 = arith.constant 16 : index
        %swap3A_320 = tpu.vector_load %arg10[%swap3A_318, %swap3A_319] {strides = array<i32>} : memref<128x64xf32, #tpu.memory_space<vmem>>, vector<16xf32>,
        tpu.vector_store %arg10[%swap3A_318, %swap3A_319], %unpack3A_314 {strides = array<i32>} : memref<128x64xf32, #tpu.memory_space<vmem>>, vector<16xf32>,
        %get3A_321 = arith.index_cast %scan3A_309 : i32 to index
        %get3A_322 = arith.constant 32 : index
        %get3A_323 = tpu.vector_load %arg8[%get3A_321, %get3A_322] {strides = array<i32>} : memref<128x64xbf16, #tpu.memory_space<vmem>>, vector<32xbf16>,
        %unpack3A_324 = tpu.unpack_subelements %get3A_323, 0 {pack_format = #tpu.pack_format<interleaved>} : vector<32xbf16> -> vector<16xf32>
        %unpack3A_325 = tpu.unpack_subelements %get3A_323, 1 {pack_format = #tpu.pack_format<interleaved>} : vector<32xbf16> -> vector<16xf32>
        %swap3A_326 = arith.index_cast %scan3A_309 : i32 to index
        %swap3A_327 = arith.constant 32 : index
        %swap3A_328 = tpu.vector_load %arg10[%swap3A_326, %swap3A_327] {strides = array<i32>} : memref<128x64xf32, #tpu.memory_space<vmem>>, vector<16xf32>,
        tpu.vector_store %arg10[%swap3A_326, %swap3A_327], %unpack3A_324 {strides = array<i32>} : memref<128x64xf32, #tpu.memory_space<vmem>>, vector<16xf32>,
        %swap3A_329 = arith.index_cast %scan3A_309 : i32 to index
        %swap3A_330 = arith.constant 48 : index
        %swap3A_331 = tpu.vector_load %arg10[%swap3A_329, %swap3A_330] {strides = array<i32>} : memref<128x64xf32, #tpu.memory_space<vmem>>, vector<16xf32>,
        tpu.vector_store %arg10[%swap3A_329, %swap3A_330], %unpack3A_325 {strides = array<i32>} : memref<128x64xf32, #tpu.memory_space<vmem>>, vector<16xf32>,
      }
      %scan3A_225 = arith.constant 128 : i32
      %add3A_226 = arith.constant 2 : i32
      %add3A_227 = arith.addi %mul3A_202, %add3A_226 : i32
      %dma_start3A_228 = arith.constant 0 : i32
      %dma_start3A_229 = tpu.memref_slice %arg6[%add3A_227, %dma_start3A_228] : memref<160x128xi32, #tpu.memory_space<vmem>> -> memref<1x128xi32, #tpu.memory_space<vmem>>
      %dma_start3A_230 = tpu.memref_squeeze %dma_start3A_229 : memref<1x128xi32, #tpu.memory_space<vmem>> -> memref<128xi32, #tpu.memory_space<vmem>>
      %dma_start3A_231 = arith.constant 0 : i32
      %dma_start3A_232 = arith.constant 0 : i32
      %dma_start3A_233 = tpu.memref_slice %arg2[%arg0, %dma_start3A_231, %dma_start3A_232] : memref<2x10240x64xbf16, #tpu.memory_space<hbm>> -> memref<1x10240x64xbf16, #tpu.memory_space<hbm>>
      %dma_start3A_234 = tpu.memref_squeeze %dma_start3A_233 : memref<1x10240x64xbf16, #tpu.memory_space<hbm>> -> memref<10240x64xbf16, #tpu.memory_space<hbm>>
      %dma_start3A_235 = arith.constant 0 : i32
      %dma_start3A_236 = arith.constant 0 : i32
      %dma_start3A_237 = tpu.memref_slice %dma_start3A_234[%dma_start3A_235, %dma_start3A_236] : memref<10240x64xbf16, #tpu.memory_space<hbm>> -> memref<10240x64xbf16, #tpu.memory_space<hbm>>
      tpu.enqueue_indirect_dma source(%dma_start3A_237 : memref<10240x64xbf16, #tpu.memory_space<hbm>>) target(%arg8 : memref<128x64xbf16, #tpu.memory_space<vmem>>) offsets(%dma_start3A_230 : memref<128xi32, #tpu.memory_space<vmem>>) semaphore(%arg12 : memref<!tpu.dma_semaphore, #tpu.memory_space<semaphore_mem>>)
      %dma_start3A_238 = arith.constant 0 : i32
      %dma_start3A_239 = tpu.memref_slice %arg7[%mul3A_202, %dma_start3A_238] : memref<160x128xi32, #tpu.memory_space<vmem>> -> memref<1x128xi32, #tpu.memory_space<vmem>>
      %dma_start3A_240 = tpu.memref_squeeze %dma_start3A_239 : memref<1x128xi32, #tpu.memory_space<vmem>> -> memref<128xi32, #tpu.memory_space<vmem>>
      %dma_start3A_241 = arith.constant 0 : i32
      %dma_start3A_242 = arith.constant 0 : i32
      %dma_start3A_243 = tpu.memref_slice %arg16[%dma_start3A_241, %dma_start3A_242] : memref<10240x64xf32, #tpu.memory_space<vmem_shared>> -> memref<10240x64xf32, #tpu.memory_space<vmem_shared>>
      tpu.enqueue_indirect_dma source(%arg10 : memref<128x64xf32, #tpu.memory_space<vmem>>) target(%dma_start3A_243 : memref<10240x64xf32, #tpu.memory_space<vmem_shared>>) offsets(%dma_start3A_240 : memref<128xi32, #tpu.memory_space<vmem>>) semaphore(%arg14 : memref<!tpu.dma_semaphore, #tpu.memory_space<semaphore_mem>>) {add = true}
      %add3A_244 = arith.constant 1 : i32
      %add3A_245 = arith.addi %mul3A_202, %add3A_244 : i32
      %dma_wait3A_246 = arith.constant 0 : i32
      %dma_wait3A_247 = tpu.memref_slice %arg6[%add3A_245, %dma_wait3A_246] : memref<160x128xi32, #tpu.memory_space<vmem>> -> memref<1x128xi32, #tpu.memory_space<vmem>>
      %dma_wait3A_248 = tpu.memref_squeeze %dma_wait3A_247 : memref<1x128xi32, #tpu.memory_space<vmem>> -> memref<128xi32, #tpu.memory_space<vmem>>
      %dma_wait3A_249 = arith.constant 0 : i32
      %dma_wait3A_250 = arith.constant 0 : i32
      %dma_wait3A_251 = tpu.memref_slice %arg2[%arg0, %dma_wait3A_249, %dma_wait3A_250] : memref<2x10240x64xbf16, #tpu.memory_space<hbm>> -> memref<1x10240x64xbf16, #tpu.memory_space<hbm>>
      %dma_wait3A_252 = tpu.memref_squeeze %dma_wait3A_251 : memref<1x10240x64xbf16, #tpu.memory_space<hbm>> -> memref<10240x64xbf16, #tpu.memory_space<hbm>>
      %dma_wait3A_253 = arith.constant 0 : i32
      %dma_wait3A_254 = arith.constant 0 : i32
      %dma_wait3A_255 = tpu.memref_slice %dma_wait3A_252[%dma_wait3A_253, %dma_wait3A_254] : memref<10240x64xbf16, #tpu.memory_space<hbm>> -> memref<10240x64xbf16, #tpu.memory_space<hbm>>
      tpu.wait_indirect_dma semaphore(%arg13 : memref<!tpu.dma_semaphore, #tpu.memory_space<semaphore_mem>>) src(%dma_wait3A_255 : memref<10240x64xbf16, #tpu.memory_space<hbm>>) dst(%arg9 : memref<128x64xbf16, #tpu.memory_space<vmem>>)
      %sub3A_256 = arith.constant 2 : i32
      %sub3A_257 = arith.subi %add3A_245, %sub3A_256 : i32
      %dma_wait3A_258 = arith.constant 0 : i32
      %dma_wait3A_259 = tpu.memref_slice %arg7[%sub3A_257, %dma_wait3A_258] : memref<160x128xi32, #tpu.memory_space<vmem>> -> memref<1x128xi32, #tpu.memory_space<vmem>>
      %dma_wait3A_260 = tpu.memref_squeeze %dma_wait3A_259 : memref<1x128xi32, #tpu.memory_space<vmem>> -> memref<128xi32, #tpu.memory_space<vmem>>
      %dma_wait3A_261 = arith.constant 0 : i32
      %dma_wait3A_262 = arith.constant 0 : i32
      %dma_wait3A_263 = tpu.memref_slice %arg16[%dma_wait3A_261, %dma_wait3A_262] : memref<10240x64xf32, #tpu.memory_space<vmem_shared>> -> memref<10240x64xf32, #tpu.memory_space<vmem_shared>>
      tpu.wait_indirect_dma semaphore(%arg15 : memref<!tpu.dma_semaphore, #tpu.memory_space<semaphore_mem>>) src(%arg11 : memref<128x64xf32, #tpu.memory_space<vmem>>) dst(%dma_wait3A_263 : memref<10240x64xf32, #tpu.memory_space<vmem_shared>>)
      %scan3A_264 = arith.constant 0 : i32
      %scan3A_265 = arith.constant 0 : i32
      %scan3A_266 = arith.constant 128 : i32
      %scan3A_267 = arith.addi %scan3A_265, %scan3A_266 : i32
      %scan3A_268 = arith.constant 2 : i32
      scf.for %scan3A_288 = %scan3A_265 to %scan3A_267 step %scan3A_268  : i32 {
        %get3A = arith.index_cast %scan3A_288 : i32 to index
        %get3A_289 = arith.constant 0 : index
        %get3A_290 = tpu.vector_load %arg9[%get3A, %get3A_289] {strides = array<i32>} : memref<128x64xbf16, #tpu.memory_space<vmem>>, vector<32xbf16>,
        %unpack3A = tpu.unpack_subelements %get3A_290, 0 {pack_format = #tpu.pack_format<interleaved>} : vector<32xbf16> -> vector<16xf32>
        %unpack3A_291 = tpu.unpack_subelements %get3A_290, 1 {pack_format = #tpu.pack_format<interleaved>} : vector<32xbf16> -> vector<16xf32>
        %swap3A = arith.index_cast %scan3A_288 : i32 to index
        %swap3A_292 = arith.constant 0 : index
        %swap3A_293 = tpu.vector_load %arg11[%swap3A, %swap3A_292] {strides = array<i32>} : memref<128x64xf32, #tpu.memory_space<vmem>>, vector<16xf32>,
        tpu.vector_store %arg11[%swap3A, %swap3A_292], %unpack3A {strides = array<i32>} : memref<128x64xf32, #tpu.memory_space<vmem>>, vector<16xf32>,
        %swap3A_294 = arith.index_cast %scan3A_288 : i32 to index
        %swap3A_295 = arith.constant 16 : index
        %swap3A_296 = tpu.vector_load %arg11[%swap3A_294, %swap3A_295] {strides = array<i32>} : memref<128x64xf32, #tpu.memory_space<vmem>>, vector<16xf32>,
        tpu.vector_store %arg11[%swap3A_294, %swap3A_295], %unpack3A_291 {strides = array<i32>} : memref<128x64xf32, #tpu.memory_space<vmem>>, vector<16xf32>,
        %get3A_297 = arith.index_cast %scan3A_288 : i32 to index
        %get3A_298 = arith.constant 32 : index
        %get3A_299 = tpu.vector_load %arg9[%get3A_297, %get3A_298] {strides = array<i32>} : memref<128x64xbf16, #tpu.memory_space<vmem>>, vector<32xbf16>,
        %unpack3A_300 = tpu.unpack_subelements %get3A_299, 0 {pack_format = #tpu.pack_format<interleaved>} : vector<32xbf16> -> vector<16xf32>
        %unpack3A_301 = tpu.unpack_subelements %get3A_299, 1 {pack_format = #tpu.pack_format<interleaved>} : vector<32xbf16> -> vector<16xf32>
        %swap3A_302 = arith.index_cast %scan3A_288 : i32 to index
        %swap3A_303 = arith.constant 32 : index
        %swap3A_304 = tpu.vector_load %arg11[%swap3A_302, %swap3A_303] {strides = array<i32>} : memref<128x64xf32, #tpu.memory_space<vmem>>, vector<16xf32>,
        tpu.vector_store %arg11[%swap3A_302, %swap3A_303], %unpack3A_300 {strides = array<i32>} : memref<128x64xf32, #tpu.memory_space<vmem>>, vector<16xf32>,
        %swap3A_305 = arith.index_cast %scan3A_288 : i32 to index
        %swap3A_306 = arith.constant 48 : index
        %swap3A_307 = tpu.vector_load %arg11[%swap3A_305, %swap3A_306] {strides = array<i32>} : memref<128x64xf32, #tpu.memory_space<vmem>>, vector<16xf32>,
        tpu.vector_store %arg11[%swap3A_305, %swap3A_306], %unpack3A_301 {strides = array<i32>} : memref<128x64xf32, #tpu.memory_space<vmem>>, vector<16xf32>,
        %scan3A_308 = arith.constant 1 : i32
        %scan3A_309 = arith.addi %scan3A_288, %scan3A_308 : i32
        %get3A_310 = arith.index_cast %scan3A_309 : i32 to index
        %get3A_311 = arith.constant 0 : index
        %get3A_312 = tpu.vector_load %arg9[%get3A_310, %get3A_311] {strides = array<i32>} : memref<128x64xbf16, #tpu.memory_space<vmem>>, vector<32xbf16>,
        %unpack3A_313 = tpu.unpack_subelements %get3A_312, 0 {pack_format = #tpu.pack_format<interleaved>} : vector<32xbf16> -> vector<16xf32>
        %unpack3A_314 = tpu.unpack_subelements %get3A_312, 1 {pack_format = #tpu.pack_format<interleaved>} : vector<32xbf16> -> vector<16xf32>
        %swap3A_315 = arith.index_cast %scan3A_309 : i32 to index
        %swap3A_316 = arith.constant 0 : index
        %swap3A_317 = tpu.vector_load %arg11[%swap3A_315, %swap3A_316] {strides = array<i32>} : memref<128x64xf32, #tpu.memory_space<vmem>>, vector<16xf32>,
        tpu.vector_store %arg11[%swap3A_315, %swap3A_316], %unpack3A_313 {strides = array<i32>} : memref<128x64xf32, #tpu.memory_space<vmem>>, vector<16xf32>,
        %swap3A_318 = arith.index_cast %scan3A_309 : i32 to index
        %swap3A_319 = arith.constant 16 : index
        %swap3A_320 = tpu.vector_load %arg11[%swap3A_318, %swap3A_319] {strides = array<i32>} : memref<128x64xf32, #tpu.memory_space<vmem>>, vector<16xf32>,
        tpu.vector_store %arg11[%swap3A_318, %swap3A_319], %unpack3A_314 {strides = array<i32>} : memref<128x64xf32, #tpu.memory_space<vmem>>, vector<16xf32>,
        %get3A_321 = arith.index_cast %scan3A_309 : i32 to index
        %get3A_322 = arith.constant 32 : index
        %get3A_323 = tpu.vector_load %arg9[%get3A_321, %get3A_322] {strides = array<i32>} : memref<128x64xbf16, #tpu.memory_space<vmem>>, vector<32xbf16>,
        %unpack3A_324 = tpu.unpack_subelements %get3A_323, 0 {pack_format = #tpu.pack_format<interleaved>} : vector<32xbf16> -> vector<16xf32>
        %unpack3A_325 = tpu.unpack_subelements %get3A_323, 1 {pack_format = #tpu.pack_format<interleaved>} : vector<32xbf16> -> vector<16xf32>
        %swap3A_326 = arith.index_cast %scan3A_309 : i32 to index
        %swap3A_327 = arith.constant 32 : index
        %swap3A_328 = tpu.vector_load %arg11[%swap3A_326, %swap3A_327] {strides = array<i32>} : memref<128x64xf32, #tpu.memory_space<vmem>>, vector<16xf32>,
        tpu.vector_store %arg11[%swap3A_326, %swap3A_327], %unpack3A_324 {strides = array<i32>} : memref<128x64xf32, #tpu.memory_space<vmem>>, vector<16xf32>,
        %swap3A_329 = arith.index_cast %scan3A_309 : i32 to index
        %swap3A_330 = arith.constant 48 : index
        %swap3A_331 = tpu.vector_load %arg11[%swap3A_329, %swap3A_330] {strides = array<i32>} : memref<128x64xf32, #tpu.memory_space<vmem>>, vector<16xf32>,
        tpu.vector_store %arg11[%swap3A_329, %swap3A_330], %unpack3A_325 {strides = array<i32>} : memref<128x64xf32, #tpu.memory_space<vmem>>, vector<16xf32>,
      }
      %scan3A_269 = arith.constant 128 : i32
      %add3A_270 = arith.constant 2 : i32
      %add3A_271 = arith.addi %add3A_245, %add3A_270 : i32
      %dma_start3A_272 = arith.constant 0 : i32
      %dma_start3A_273 = tpu.memref_slice %arg6[%add3A_271, %dma_start3A_272] : memref<160x128xi32, #tpu.memory_space<vmem>> -> memref<1x128xi32, #tpu.memory_space<vmem>>
      %dma_start3A_274 = tpu.memref_squeeze %dma_start3A_273 : memref<1x128xi32, #tpu.memory_space<vmem>> -> memref<128xi32, #tpu.memory_space<vmem>>
      %dma_start3A_275 = arith.constant 0 : i32
      %dma_start3A_276 = arith.constant 0 : i32
      %dma_start3A_277 = tpu.memref_slice %arg2[%arg0, %dma_start3A_275, %dma_start3A_276] : memref<2x10240x64xbf16, #tpu.memory_space<hbm>> -> memref<1x10240x64xbf16, #tpu.memory_space<hbm>>
      %dma_start3A_278 = tpu.memref_squeeze %dma_start3A_277 : memref<1x10240x64xbf16, #tpu.memory_space<hbm>> -> memref<10240x64xbf16, #tpu.memory_space<hbm>>
      %dma_start3A_279 = arith.constant 0 : i32
      %dma_start3A_280 = arith.constant 0 : i32
      %dma_start3A_281 = tpu.memref_slice %dma_start3A_278[%dma_start3A_279, %dma_start3A_280] : memref<10240x64xbf16, #tpu.memory_space<hbm>> -> memref<10240x64xbf16, #tpu.memory_space<hbm>>
      tpu.enqueue_indirect_dma source(%dma_start3A_281 : memref<10240x64xbf16, #tpu.memory_space<hbm>>) target(%arg9 : memref<128x64xbf16, #tpu.memory_space<vmem>>) offsets(%dma_start3A_274 : memref<128xi32, #tpu.memory_space<vmem>>) semaphore(%arg13 : memref<!tpu.dma_semaphore, #tpu.memory_space<semaphore_mem>>)
      %dma_start3A_282 = arith.constant 0 : i32
      %dma_start3A_283 = tpu.memref_slice %arg7[%add3A_245, %dma_start3A_282] : memref<160x128xi32, #tpu.memory_space<vmem>> -> memref<1x128xi32, #tpu.memory_space<vmem>>
      %dma_start3A_284 = tpu.memref_squeeze %dma_start3A_283 : memref<1x128xi32, #tpu.memory_space<vmem>> -> memref<128xi32, #tpu.memory_space<vmem>>
      %dma_start3A_285 = arith.constant 0 : i32
      %dma_start3A_286 = arith.constant 0 : i32
      %dma_start3A_287 = tpu.memref_slice %arg16[%dma_start3A_285, %dma_start3A_286] : memref<10240x64xf32, #tpu.memory_space<vmem_shared>> -> memref<10240x64xf32, #tpu.memory_space<vmem_shared>>
      tpu.enqueue_indirect_dma source(%arg11 : memref<128x64xf32, #tpu.memory_space<vmem>>) target(%dma_start3A_287 : memref<10240x64xf32, #tpu.memory_space<vmem_shared>>) offsets(%dma_start3A_284 : memref<128xi32, #tpu.memory_space<vmem>>) semaphore(%arg15 : memref<!tpu.dma_semaphore, #tpu.memory_space<semaphore_mem>>) {add = true}
    }
    %scan3A_118 = arith.constant 78 : i32
    %dma_wait3A_119 = arith.constant 158 : i32
    %dma_wait3A_120 = arith.constant 0 : i32
    %dma_wait3A_121 = tpu.memref_slice %arg6[%dma_wait3A_119, %dma_wait3A_120] : memref<160x128xi32, #tpu.memory_space<vmem>> -> memref<1x128xi32, #tpu.memory_space<vmem>>
    %dma_wait3A_122 = tpu.memref_squeeze %dma_wait3A_121 : memref<1x128xi32, #tpu.memory_space<vmem>> -> memref<128xi32, #tpu.memory_space<vmem>>
    %dma_wait3A_123 = arith.constant 0 : i32
    %dma_wait3A_124 = arith.constant 0 : i32
    %dma_wait3A_125 = tpu.memref_slice %arg2[%arg0, %dma_wait3A_123, %dma_wait3A_124] : memref<2x10240x64xbf16, #tpu.memory_space<hbm>> -> memref<1x10240x64xbf16, #tpu.memory_space<hbm>>
    %dma_wait3A_126 = tpu.memref_squeeze %dma_wait3A_125 : memref<1x10240x64xbf16, #tpu.memory_space<hbm>> -> memref<10240x64xbf16, #tpu.memory_space<hbm>>
    %dma_wait3A_127 = arith.constant 0 : i32
    %dma_wait3A_128 = arith.constant 0 : i32
    %dma_wait3A_129 = tpu.memref_slice %dma_wait3A_126[%dma_wait3A_127, %dma_wait3A_128] : memref<10240x64xbf16, #tpu.memory_space<hbm>> -> memref<10240x64xbf16, #tpu.memory_space<hbm>>
    tpu.wait_indirect_dma semaphore(%arg12 : memref<!tpu.dma_semaphore, #tpu.memory_space<semaphore_mem>>) src(%dma_wait3A_129 : memref<10240x64xbf16, #tpu.memory_space<hbm>>) dst(%arg8 : memref<128x64xbf16, #tpu.memory_space<vmem>>)
    %dma_wait3A_130 = arith.constant 156 : i32
    %dma_wait3A_131 = arith.constant 0 : i32
    %dma_wait3A_132 = tpu.memref_slice %arg7[%dma_wait3A_130, %dma_wait3A_131] : memref<160x128xi32, #tpu.memory_space<vmem>> -> memref<1x128xi32, #tpu.memory_space<vmem>>
    %dma_wait3A_133 = tpu.memref_squeeze %dma_wait3A_132 : memref<1x128xi32, #tpu.memory_space<vmem>> -> memref<128xi32, #tpu.memory_space<vmem>>
    %dma_wait3A_134 = arith.constant 0 : i32
    %dma_wait3A_135 = arith.constant 0 : i32
    %dma_wait3A_136 = tpu.memref_slice %arg16[%dma_wait3A_134, %dma_wait3A_135] : memref<10240x64xf32, #tpu.memory_space<vmem_shared>> -> memref<10240x64xf32, #tpu.memory_space<vmem_shared>>
    tpu.wait_indirect_dma semaphore(%arg14 : memref<!tpu.dma_semaphore, #tpu.memory_space<semaphore_mem>>) src(%arg10 : memref<128x64xf32, #tpu.memory_space<vmem>>) dst(%dma_wait3A_136 : memref<10240x64xf32, #tpu.memory_space<vmem_shared>>)
    %scan3A_137 = arith.constant 0 : i32
    %scan3A_138 = arith.constant 0 : i32
    %scan3A_139 = arith.constant 128 : i32
    %scan3A_140 = arith.addi %scan3A_138, %scan3A_139 : i32
    %scan3A_141 = arith.constant 2 : i32
    scf.for %scan3A_200 = %scan3A_138 to %scan3A_140 step %scan3A_141  : i32 {
      %get3A = arith.index_cast %scan3A_200 : i32 to index
      %get3A_201 = arith.constant 0 : index
      %get3A_202 = tpu.vector_load %arg8[%get3A, %get3A_201] {strides = array<i32>} : memref<128x64xbf16, #tpu.memory_space<vmem>>, vector<32xbf16>,
      %unpack3A = tpu.unpack_subelements %get3A_202, 0 {pack_format = #tpu.pack_format<interleaved>} : vector<32xbf16> -> vector<16xf32>
      %unpack3A_203 = tpu.unpack_subelements %get3A_202, 1 {pack_format = #tpu.pack_format<interleaved>} : vector<32xbf16> -> vector<16xf32>
      %swap3A = arith.index_cast %scan3A_200 : i32 to index
      %swap3A_204 = arith.constant 0 : index
      %swap3A_205 = tpu.vector_load %arg10[%swap3A, %swap3A_204] {strides = array<i32>} : memref<128x64xf32, #tpu.memory_space<vmem>>, vector<16xf32>,
      tpu.vector_store %arg10[%swap3A, %swap3A_204], %unpack3A {strides = array<i32>} : memref<128x64xf32, #tpu.memory_space<vmem>>, vector<16xf32>,
      %swap3A_206 = arith.index_cast %scan3A_200 : i32 to index
      %swap3A_207 = arith.constant 16 : index
      %swap3A_208 = tpu.vector_load %arg10[%swap3A_206, %swap3A_207] {strides = array<i32>} : memref<128x64xf32, #tpu.memory_space<vmem>>, vector<16xf32>,
      tpu.vector_store %arg10[%swap3A_206, %swap3A_207], %unpack3A_203 {strides = array<i32>} : memref<128x64xf32, #tpu.memory_space<vmem>>, vector<16xf32>,
      %get3A_209 = arith.index_cast %scan3A_200 : i32 to index
      %get3A_210 = arith.constant 32 : index
      %get3A_211 = tpu.vector_load %arg8[%get3A_209, %get3A_210] {strides = array<i32>} : memref<128x64xbf16, #tpu.memory_space<vmem>>, vector<32xbf16>,
      %unpack3A_212 = tpu.unpack_subelements %get3A_211, 0 {pack_format = #tpu.pack_format<interleaved>} : vector<32xbf16> -> vector<16xf32>
      %unpack3A_213 = tpu.unpack_subelements %get3A_211, 1 {pack_format = #tpu.pack_format<interleaved>} : vector<32xbf16> -> vector<16xf32>
      %swap3A_214 = arith.index_cast %scan3A_200 : i32 to index
      %swap3A_215 = arith.constant 32 : index
      %swap3A_216 = tpu.vector_load %arg10[%swap3A_214, %swap3A_215] {strides = array<i32>} : memref<128x64xf32, #tpu.memory_space<vmem>>, vector<16xf32>,
      tpu.vector_store %arg10[%swap3A_214, %swap3A_215], %unpack3A_212 {strides = array<i32>} : memref<128x64xf32, #tpu.memory_space<vmem>>, vector<16xf32>,
      %swap3A_217 = arith.index_cast %scan3A_200 : i32 to index
      %swap3A_218 = arith.constant 48 : index
      %swap3A_219 = tpu.vector_load %arg10[%swap3A_217, %swap3A_218] {strides = array<i32>} : memref<128x64xf32, #tpu.memory_space<vmem>>, vector<16xf32>,
      tpu.vector_store %arg10[%swap3A_217, %swap3A_218], %unpack3A_213 {strides = array<i32>} : memref<128x64xf32, #tpu.memory_space<vmem>>, vector<16xf32>,
      %scan3A_220 = arith.constant 1 : i32
      %scan3A_221 = arith.addi %scan3A_200, %scan3A_220 : i32
      %get3A_222 = arith.index_cast %scan3A_221 : i32 to index
      %get3A_223 = arith.constant 0 : index
      %get3A_224 = tpu.vector_load %arg8[%get3A_222, %get3A_223] {strides = array<i32>} : memref<128x64xbf16, #tpu.memory_space<vmem>>, vector<32xbf16>,
      %unpack3A_225 = tpu.unpack_subelements %get3A_224, 0 {pack_format = #tpu.pack_format<interleaved>} : vector<32xbf16> -> vector<16xf32>
      %unpack3A_226 = tpu.unpack_subelements %get3A_224, 1 {pack_format = #tpu.pack_format<interleaved>} : vector<32xbf16> -> vector<16xf32>
      %swap3A_227 = arith.index_cast %scan3A_221 : i32 to index
      %swap3A_228 = arith.constant 0 : index
      %swap3A_229 = tpu.vector_load %arg10[%swap3A_227, %swap3A_228] {strides = array<i32>} : memref<128x64xf32, #tpu.memory_space<vmem>>, vector<16xf32>,
      tpu.vector_store %arg10[%swap3A_227, %swap3A_228], %unpack3A_225 {strides = array<i32>} : memref<128x64xf32, #tpu.memory_space<vmem>>, vector<16xf32>,
      %swap3A_230 = arith.index_cast %scan3A_221 : i32 to index
      %swap3A_231 = arith.constant 16 : index
      %swap3A_232 = tpu.vector_load %arg10[%swap3A_230, %swap3A_231] {strides = array<i32>} : memref<128x64xf32, #tpu.memory_space<vmem>>, vector<16xf32>,
      tpu.vector_store %arg10[%swap3A_230, %swap3A_231], %unpack3A_226 {strides = array<i32>} : memref<128x64xf32, #tpu.memory_space<vmem>>, vector<16xf32>,
      %get3A_233 = arith.index_cast %scan3A_221 : i32 to index
      %get3A_234 = arith.constant 32 : index
      %get3A_235 = tpu.vector_load %arg8[%get3A_233, %get3A_234] {strides = array<i32>} : memref<128x64xbf16, #tpu.memory_space<vmem>>, vector<32xbf16>,
      %unpack3A_236 = tpu.unpack_subelements %get3A_235, 0 {pack_format = #tpu.pack_format<interleaved>} : vector<32xbf16> -> vector<16xf32>
      %unpack3A_237 = tpu.unpack_subelements %get3A_235, 1 {pack_format = #tpu.pack_format<interleaved>} : vector<32xbf16> -> vector<16xf32>
      %swap3A_238 = arith.index_cast %scan3A_221 : i32 to index
      %swap3A_239 = arith.constant 32 : index
      %swap3A_240 = tpu.vector_load %arg10[%swap3A_238, %swap3A_239] {strides = array<i32>} : memref<128x64xf32, #tpu.memory_space<vmem>>, vector<16xf32>,
      tpu.vector_store %arg10[%swap3A_238, %swap3A_239], %unpack3A_236 {strides = array<i32>} : memref<128x64xf32, #tpu.memory_space<vmem>>, vector<16xf32>,
      %swap3A_241 = arith.index_cast %scan3A_221 : i32 to index
      %swap3A_242 = arith.constant 48 : index
      %swap3A_243 = tpu.vector_load %arg10[%swap3A_241, %swap3A_242] {strides = array<i32>} : memref<128x64xf32, #tpu.memory_space<vmem>>, vector<16xf32>,
      tpu.vector_store %arg10[%swap3A_241, %swap3A_242], %unpack3A_237 {strides = array<i32>} : memref<128x64xf32, #tpu.memory_space<vmem>>, vector<16xf32>,
    }
    %scan3A_142 = arith.constant 128 : i32
    %dma_start3A_143 = arith.constant 158 : i32
    %dma_start3A_144 = arith.constant 0 : i32
    %dma_start3A_145 = tpu.memref_slice %arg7[%dma_start3A_143, %dma_start3A_144] : memref<160x128xi32, #tpu.memory_space<vmem>> -> memref<1x128xi32, #tpu.memory_space<vmem>>
    %dma_start3A_146 = tpu.memref_squeeze %dma_start3A_145 : memref<1x128xi32, #tpu.memory_space<vmem>> -> memref<128xi32, #tpu.memory_space<vmem>>
    %dma_start3A_147 = arith.constant 0 : i32
    %dma_start3A_148 = arith.constant 0 : i32
    %dma_start3A_149 = tpu.memref_slice %arg16[%dma_start3A_147, %dma_start3A_148] : memref<10240x64xf32, #tpu.memory_space<vmem_shared>> -> memref<10240x64xf32, #tpu.memory_space<vmem_shared>>
    tpu.enqueue_indirect_dma source(%arg10 : memref<128x64xf32, #tpu.memory_space<vmem>>) target(%dma_start3A_149 : memref<10240x64xf32, #tpu.memory_space<vmem_shared>>) offsets(%dma_start3A_146 : memref<128xi32, #tpu.memory_space<vmem>>) semaphore(%arg14 : memref<!tpu.dma_semaphore, #tpu.memory_space<semaphore_mem>>) {add = true}
    %dma_wait3A_150 = arith.constant 159 : i32
    %dma_wait3A_151 = arith.constant 0 : i32
    %dma_wait3A_152 = tpu.memref_slice %arg6[%dma_wait3A_150, %dma_wait3A_151] : memref<160x128xi32, #tpu.memory_space<vmem>> -> memref<1x128xi32, #tpu.memory_space<vmem>>
    %dma_wait3A_153 = tpu.memref_squeeze %dma_wait3A_152 : memref<1x128xi32, #tpu.memory_space<vmem>> -> memref<128xi32, #tpu.memory_space<vmem>>
    %dma_wait3A_154 = arith.constant 0 : i32
    %dma_wait3A_155 = arith.constant 0 : i32
    %dma_wait3A_156 = tpu.memref_slice %arg2[%arg0, %dma_wait3A_154, %dma_wait3A_155] : memref<2x10240x64xbf16, #tpu.memory_space<hbm>> -> memref<1x10240x64xbf16, #tpu.memory_space<hbm>>
    %dma_wait3A_157 = tpu.memref_squeeze %dma_wait3A_156 : memref<1x10240x64xbf16, #tpu.memory_space<hbm>> -> memref<10240x64xbf16, #tpu.memory_space<hbm>>
    %dma_wait3A_158 = arith.constant 0 : i32
    %dma_wait3A_159 = arith.constant 0 : i32
    %dma_wait3A_160 = tpu.memref_slice %dma_wait3A_157[%dma_wait3A_158, %dma_wait3A_159] : memref<10240x64xbf16, #tpu.memory_space<hbm>> -> memref<10240x64xbf16, #tpu.memory_space<hbm>>
    tpu.wait_indirect_dma semaphore(%arg13 : memref<!tpu.dma_semaphore, #tpu.memory_space<semaphore_mem>>) src(%dma_wait3A_160 : memref<10240x64xbf16, #tpu.memory_space<hbm>>) dst(%arg9 : memref<128x64xbf16, #tpu.memory_space<vmem>>)
    %dma_wait3A_161 = arith.constant 157 : i32
    %dma_wait3A_162 = arith.constant 0 : i32
    %dma_wait3A_163 = tpu.memref_slice %arg7[%dma_wait3A_161, %dma_wait3A_162] : memref<160x128xi32, #tpu.memory_space<vmem>> -> memref<1x128xi32, #tpu.memory_space<vmem>>
    %dma_wait3A_164 = tpu.memref_squeeze %dma_wait3A_163 : memref<1x128xi32, #tpu.memory_space<vmem>> -> memref<128xi32, #tpu.memory_space<vmem>>
    %dma_wait3A_165 = arith.constant 0 : i32
    %dma_wait3A_166 = arith.constant 0 : i32
    %dma_wait3A_167 = tpu.memref_slice %arg16[%dma_wait3A_165, %dma_wait3A_166] : memref<10240x64xf32, #tpu.memory_space<vmem_shared>> -> memref<10240x64xf32, #tpu.memory_space<vmem_shared>>
    tpu.wait_indirect_dma semaphore(%arg15 : memref<!tpu.dma_semaphore, #tpu.memory_space<semaphore_mem>>) src(%arg11 : memref<128x64xf32, #tpu.memory_space<vmem>>) dst(%dma_wait3A_167 : memref<10240x64xf32, #tpu.memory_space<vmem_shared>>)
    %scan3A_168 = arith.constant 0 : i32
    %scan3A_169 = arith.constant 0 : i32
    %scan3A_170 = arith.constant 128 : i32
    %scan3A_171 = arith.addi %scan3A_169, %scan3A_170 : i32
    %scan3A_172 = arith.constant 2 : i32
    scf.for %scan3A_200 = %scan3A_169 to %scan3A_171 step %scan3A_172  : i32 {
      %get3A = arith.index_cast %scan3A_200 : i32 to index
      %get3A_201 = arith.constant 0 : index
      %get3A_202 = tpu.vector_load %arg9[%get3A, %get3A_201] {strides = array<i32>} : memref<128x64xbf16, #tpu.memory_space<vmem>>, vector<32xbf16>,
      %unpack3A = tpu.unpack_subelements %get3A_202, 0 {pack_format = #tpu.pack_format<interleaved>} : vector<32xbf16> -> vector<16xf32>
      %unpack3A_203 = tpu.unpack_subelements %get3A_202, 1 {pack_format = #tpu.pack_format<interleaved>} : vector<32xbf16> -> vector<16xf32>
      %swap3A = arith.index_cast %scan3A_200 : i32 to index
      %swap3A_204 = arith.constant 0 : index
      %swap3A_205 = tpu.vector_load %arg11[%swap3A, %swap3A_204] {strides = array<i32>} : memref<128x64xf32, #tpu.memory_space<vmem>>, vector<16xf32>,
      tpu.vector_store %arg11[%swap3A, %swap3A_204], %unpack3A {strides = array<i32>} : memref<128x64xf32, #tpu.memory_space<vmem>>, vector<16xf32>,
      %swap3A_206 = arith.index_cast %scan3A_200 : i32 to index
      %swap3A_207 = arith.constant 16 : index
      %swap3A_208 = tpu.vector_load %arg11[%swap3A_206, %swap3A_207] {strides = array<i32>} : memref<128x64xf32, #tpu.memory_space<vmem>>, vector<16xf32>,
      tpu.vector_store %arg11[%swap3A_206, %swap3A_207], %unpack3A_203 {strides = array<i32>} : memref<128x64xf32, #tpu.memory_space<vmem>>, vector<16xf32>,
      %get3A_209 = arith.index_cast %scan3A_200 : i32 to index
      %get3A_210 = arith.constant 32 : index
      %get3A_211 = tpu.vector_load %arg9[%get3A_209, %get3A_210] {strides = array<i32>} : memref<128x64xbf16, #tpu.memory_space<vmem>>, vector<32xbf16>,
      %unpack3A_212 = tpu.unpack_subelements %get3A_211, 0 {pack_format = #tpu.pack_format<interleaved>} : vector<32xbf16> -> vector<16xf32>
      %unpack3A_213 = tpu.unpack_subelements %get3A_211, 1 {pack_format = #tpu.pack_format<interleaved>} : vector<32xbf16> -> vector<16xf32>
      %swap3A_214 = arith.index_cast %scan3A_200 : i32 to index
      %swap3A_215 = arith.constant 32 : index
      %swap3A_216 = tpu.vector_load %arg11[%swap3A_214, %swap3A_215] {strides = array<i32>} : memref<128x64xf32, #tpu.memory_space<vmem>>, vector<16xf32>,
      tpu.vector_store %arg11[%swap3A_214, %swap3A_215], %unpack3A_212 {strides = array<i32>} : memref<128x64xf32, #tpu.memory_space<vmem>>, vector<16xf32>,
      %swap3A_217 = arith.index_cast %scan3A_200 : i32 to index
      %swap3A_218 = arith.constant 48 : index
      %swap3A_219 = tpu.vector_load %arg11[%swap3A_217, %swap3A_218] {strides = array<i32>} : memref<128x64xf32, #tpu.memory_space<vmem>>, vector<16xf32>,
      tpu.vector_store %arg11[%swap3A_217, %swap3A_218], %unpack3A_213 {strides = array<i32>} : memref<128x64xf32, #tpu.memory_space<vmem>>, vector<16xf32>,
      %scan3A_220 = arith.constant 1 : i32
      %scan3A_221 = arith.addi %scan3A_200, %scan3A_220 : i32
      %get3A_222 = arith.index_cast %scan3A_221 : i32 to index
      %get3A_223 = arith.constant 0 : index
      %get3A_224 = tpu.vector_load %arg9[%get3A_222, %get3A_223] {strides = array<i32>} : memref<128x64xbf16, #tpu.memory_space<vmem>>, vector<32xbf16>,
      %unpack3A_225 = tpu.unpack_subelements %get3A_224, 0 {pack_format = #tpu.pack_format<interleaved>} : vector<32xbf16> -> vector<16xf32>
      %unpack3A_226 = tpu.unpack_subelements %get3A_224, 1 {pack_format = #tpu.pack_format<interleaved>} : vector<32xbf16> -> vector<16xf32>
      %swap3A_227 = arith.index_cast %scan3A_221 : i32 to index
      %swap3A_228 = arith.constant 0 : index
      %swap3A_229 = tpu.vector_load %arg11[%swap3A_227, %swap3A_228] {strides = array<i32>} : memref<128x64xf32, #tpu.memory_space<vmem>>, vector<16xf32>,
      tpu.vector_store %arg11[%swap3A_227, %swap3A_228], %unpack3A_225 {strides = array<i32>} : memref<128x64xf32, #tpu.memory_space<vmem>>, vector<16xf32>,
      %swap3A_230 = arith.index_cast %scan3A_221 : i32 to index
      %swap3A_231 = arith.constant 16 : index
      %swap3A_232 = tpu.vector_load %arg11[%swap3A_230, %swap3A_231] {strides = array<i32>} : memref<128x64xf32, #tpu.memory_space<vmem>>, vector<16xf32>,
      tpu.vector_store %arg11[%swap3A_230, %swap3A_231], %unpack3A_226 {strides = array<i32>} : memref<128x64xf32, #tpu.memory_space<vmem>>, vector<16xf32>,
      %get3A_233 = arith.index_cast %scan3A_221 : i32 to index
      %get3A_234 = arith.constant 32 : index
      %get3A_235 = tpu.vector_load %arg9[%get3A_233, %get3A_234] {strides = array<i32>} : memref<128x64xbf16, #tpu.memory_space<vmem>>, vector<32xbf16>,
      %unpack3A_236 = tpu.unpack_subelements %get3A_235, 0 {pack_format = #tpu.pack_format<interleaved>} : vector<32xbf16> -> vector<16xf32>
      %unpack3A_237 = tpu.unpack_subelements %get3A_235, 1 {pack_format = #tpu.pack_format<interleaved>} : vector<32xbf16> -> vector<16xf32>
      %swap3A_238 = arith.index_cast %scan3A_221 : i32 to index
      %swap3A_239 = arith.constant 32 : index
      %swap3A_240 = tpu.vector_load %arg11[%swap3A_238, %swap3A_239] {strides = array<i32>} : memref<128x64xf32, #tpu.memory_space<vmem>>, vector<16xf32>,
      tpu.vector_store %arg11[%swap3A_238, %swap3A_239], %unpack3A_236 {strides = array<i32>} : memref<128x64xf32, #tpu.memory_space<vmem>>, vector<16xf32>,
      %swap3A_241 = arith.index_cast %scan3A_221 : i32 to index
      %swap3A_242 = arith.constant 48 : index
      %swap3A_243 = tpu.vector_load %arg11[%swap3A_241, %swap3A_242] {strides = array<i32>} : memref<128x64xf32, #tpu.memory_space<vmem>>, vector<16xf32>,
      tpu.vector_store %arg11[%swap3A_241, %swap3A_242], %unpack3A_237 {strides = array<i32>} : memref<128x64xf32, #tpu.memory_space<vmem>>, vector<16xf32>,
    }
    %scan3A_173 = arith.constant 128 : i32
    %dma_start3A_174 = arith.constant 159 : i32
    %dma_start3A_175 = arith.constant 0 : i32
    %dma_start3A_176 = tpu.memref_slice %arg7[%dma_start3A_174, %dma_start3A_175] : memref<160x128xi32, #tpu.memory_space<vmem>> -> memref<1x128xi32, #tpu.memory_space<vmem>>
    %dma_start3A_177 = tpu.memref_squeeze %dma_start3A_176 : memref<1x128xi32, #tpu.memory_space<vmem>> -> memref<128xi32, #tpu.memory_space<vmem>>
    %dma_start3A_178 = arith.constant 0 : i32
    %dma_start3A_179 = arith.constant 0 : i32
    %dma_start3A_180 = tpu.memref_slice %arg16[%dma_start3A_178, %dma_start3A_179] : memref<10240x64xf32, #tpu.memory_space<vmem_shared>> -> memref<10240x64xf32, #tpu.memory_space<vmem_shared>>
    tpu.enqueue_indirect_dma source(%arg11 : memref<128x64xf32, #tpu.memory_space<vmem>>) target(%dma_start3A_180 : memref<10240x64xf32, #tpu.memory_space<vmem_shared>>) offsets(%dma_start3A_177 : memref<128xi32, #tpu.memory_space<vmem>>) semaphore(%arg15 : memref<!tpu.dma_semaphore, #tpu.memory_space<semaphore_mem>>) {add = true}
    %dma_wait3A_181 = arith.constant 158 : i32
    %dma_wait3A_182 = arith.constant 0 : i32
    %dma_wait3A_183 = tpu.memref_slice %arg7[%dma_wait3A_181, %dma_wait3A_182] : memref<160x128xi32, #tpu.memory_space<vmem>> -> memref<1x128xi32, #tpu.memory_space<vmem>>
    %dma_wait3A_184 = tpu.memref_squeeze %dma_wait3A_183 : memref<1x128xi32, #tpu.memory_space<vmem>> -> memref<128xi32, #tpu.memory_space<vmem>>
    %dma_wait3A_185 = arith.constant 0 : i32
    %dma_wait3A_186 = arith.constant 0 : i32
    %dma_wait3A_187 = tpu.memref_slice %arg16[%dma_wait3A_185, %dma_wait3A_186] : memref<10240x64xf32, #tpu.memory_space<vmem_shared>> -> memref<10240x64xf32, #tpu.memory_space<vmem_shared>>
    tpu.wait_indirect_dma semaphore(%arg14 : memref<!tpu.dma_semaphore, #tpu.memory_space<semaphore_mem>>) src(%arg10 : memref<128x64xf32, #tpu.memory_space<vmem>>) dst(%dma_wait3A_187 : memref<10240x64xf32, #tpu.memory_space<vmem_shared>>)
    %dma_wait3A_188 = arith.constant 159 : i32
    %dma_wait3A_189 = arith.constant 0 : i32
    %dma_wait3A_190 = tpu.memref_slice %arg7[%dma_wait3A_188, %dma_wait3A_189] : memref<160x128xi32, #tpu.memory_space<vmem>> -> memref<1x128xi32, #tpu.memory_space<vmem>>
    %dma_wait3A_191 = tpu.memref_squeeze %dma_wait3A_190 : memref<1x128xi32, #tpu.memory_space<vmem>> -> memref<128xi32, #tpu.memory_space<vmem>>
    %dma_wait3A_192 = arith.constant 0 : i32
    %dma_wait3A_193 = arith.constant 0 : i32
    %dma_wait3A_194 = tpu.memref_slice %arg16[%dma_wait3A_192, %dma_wait3A_193] : memref<10240x64xf32, #tpu.memory_space<vmem_shared>> -> memref<10240x64xf32, #tpu.memory_space<vmem_shared>>
    tpu.wait_indirect_dma semaphore(%arg15 : memref<!tpu.dma_semaphore, #tpu.memory_space<semaphore_mem>>) src(%arg11 : memref<128x64xf32, #tpu.memory_space<vmem>>) dst(%dma_wait3A_194 : memref<10240x64xf32, #tpu.memory_space<vmem_shared>>)
    %barrier3A_195 = arith.constant 0 : index
    tpu.barrier barrier_id(%barrier3A_195)
    %mul3A_196 = arith.constant 640 : i32
    %mul3A_197 = arith.muli %arg1, %mul3A_196 : i32
    %mul3A_198 = arith.constant 640 : i32
    %mul3A_199 = arith.muli %arg1, %mul3A_198 : i32
    "tpu.region"() ({
      %run_scoped3A = tpu.sem_alloc : memref<!tpu.dma_semaphore, #tpu.memory_space<semaphore_mem>>
      %dma_start3A_200 = arith.constant 0 : i32
      %dma_start3A_201 = arith.constant 0 : i32
      %dma_start3A_202 = tpu.memref_slice %arg5[%arg0, %dma_start3A_200, %dma_start3A_201] : memref<2x10240x64xf32, #tpu.memory_space<hbm>> -> memref<1x10240x64xf32, #tpu.memory_space<hbm>>
      %dma_start3A_203 = tpu.memref_squeeze %dma_start3A_202 : memref<1x10240x64xf32, #tpu.memory_space<hbm>> -> memref<10240x64xf32, #tpu.memory_space<hbm>>
      %dma_start3A_204 = arith.constant 0 : i32
      %dma_start3A_205 = tpu.memref_slice %dma_start3A_203[%mul3A_199, %dma_start3A_204] : memref<10240x64xf32, #tpu.memory_space<hbm>> -> memref<640x64xf32, #tpu.memory_space<hbm>>
      %dma_start3A_206 = arith.constant 0 : i32
      %dma_start3A_207 = tpu.memref_slice %arg16[%mul3A_197, %dma_start3A_206] : memref<10240x64xf32, #tpu.memory_space<vmem_shared>> -> memref<640x64xf32, #tpu.memory_space<vmem_shared>>
      tpu.enqueue_dma source(%dma_start3A_207 : memref<640x64xf32, #tpu.memory_space<vmem_shared>>) target(%dma_start3A_205 : memref<640x64xf32, #tpu.memory_space<hbm>>) target_semaphore(%run_scoped3A : memref<!tpu.dma_semaphore, #tpu.memory_space<semaphore_mem>>)
      %dma_wait3A_208 = arith.constant 0 : i32
      %dma_wait3A_209 = arith.constant 0 : i32
      %dma_wait3A_210 = tpu.memref_slice %arg5[%arg0, %dma_wait3A_208, %dma_wait3A_209] : memref<2x10240x64xf32, #tpu.memory_space<hbm>> -> memref<1x10240x64xf32, #tpu.memory_space<hbm>>
      %dma_wait3A_211 = tpu.memref_squeeze %dma_wait3A_210 : memref<1x10240x64xf32, #tpu.memory_space<hbm>> -> memref<10240x64xf32, #tpu.memory_space<hbm>>
      %dma_wait3A_212 = arith.constant 0 : i32
      %dma_wait3A_213 = tpu.memref_slice %dma_wait3A_211[%mul3A_199, %dma_wait3A_212] : memref<10240x64xf32, #tpu.memory_space<hbm>> -> memref<640x64xf32, #tpu.memory_space<hbm>>
      %dma_wait3A_214 = arith.constant 0 : i32
      %dma_wait3A_215 = tpu.memref_slice %arg16[%mul3A_197, %dma_wait3A_214] : memref<10240x64xf32, #tpu.memory_space<vmem_shared>> -> memref<640x64xf32, #tpu.memory_space<vmem_shared>>
      tpu.wait_dma2 semaphore(%run_scoped3A : memref<!tpu.dma_semaphore, #tpu.memory_space<semaphore_mem>>) src(%dma_wait3A_215 : memref<640x64xf32, #tpu.memory_space<vmem_shared>>) dst(%dma_wait3A_213 : memref<640x64xf32, #tpu.memory_space<hbm>>)
      tpu.yield
    }) : () -> ()
    return
  }
}

#map = affine_map<(d0, d1) -> (0, 0, 0)>
module attributes {stable_mosaic.version = 14 : i64} {
  func.func @_deg_sc(%arg0: i32, %arg1: i32, %arg2: memref<16x160x128xi32, #tpu.memory_space<hbm>>, %arg3: memref<2x10240x16xf32, #tpu.memory_space<hbm>>, %arg4: memref<80x128xi32, #tpu.memory_space<vmem>>, %arg5: memref<128x16xf32, #tpu.memory_space<vmem>>, %arg6: memref<128x16xf32, #tpu.memory_space<vmem>>, %arg7: memref<10240x16xf32, #tpu.memory_space<vmem_shared>>) attributes {dimension_semantics = [#tpu.dimension_semantics<core_parallel>, #tpu.dimension_semantics<subcore_parallel>], iteration_bounds = array<i64: 2, 16>, scalar_prefetch = 0 : i64, scratch_operands = 4 : i64, tpu.core_type = #tpu.core_type<sc_vector_subcore>, window_params = [{transform_indices = #map}, {transform_indices = #map}]} {
    %mul3A = arith.constant 80 : i32
    %mul3A_0 = arith.muli %arg0, %mul3A : i32
    "tpu.region"() ({
      %run_scoped3A = tpu.sem_alloc : memref<!tpu.dma_semaphore, #tpu.memory_space<semaphore_mem>>
      %dma_start3A = arith.constant 0 : i32
      %dma_start3A_36 = arith.constant 0 : i32
      %dma_start3A_37 = tpu.memref_slice %arg2[%arg1, %dma_start3A, %dma_start3A_36] : memref<16x160x128xi32, #tpu.memory_space<hbm>> -> memref<1x160x128xi32, #tpu.memory_space<hbm>>
      %dma_start3A_38 = tpu.memref_squeeze %dma_start3A_37 : memref<1x160x128xi32, #tpu.memory_space<hbm>> -> memref<160x128xi32, #tpu.memory_space<hbm>>
      %dma_start3A_39 = arith.constant 0 : i32
      %dma_start3A_40 = tpu.memref_slice %dma_start3A_38[%mul3A_0, %dma_start3A_39] : memref<160x128xi32, #tpu.memory_space<hbm>> -> memref<80x128xi32, #tpu.memory_space<hbm>>
      %dma_start3A_41 = arith.constant 0 : i32
      %dma_start3A_42 = arith.constant 0 : i32
      %dma_start3A_43 = tpu.memref_slice %arg2[%arg1, %dma_start3A_41, %dma_start3A_42] : memref<16x160x128xi32, #tpu.memory_space<hbm>> -> memref<1x160x128xi32, #tpu.memory_space<hbm>>
      %dma_start3A_44 = tpu.memref_squeeze %dma_start3A_43 : memref<1x160x128xi32, #tpu.memory_space<hbm>> -> memref<160x128xi32, #tpu.memory_space<hbm>>
      %dma_start3A_45 = arith.constant 0 : i32
      %dma_start3A_46 = tpu.memref_slice %dma_start3A_44[%mul3A_0, %dma_start3A_45] : memref<160x128xi32, #tpu.memory_space<hbm>> -> memref<80x128xi32, #tpu.memory_space<hbm>>
      tpu.enqueue_dma source(%dma_start3A_46 : memref<80x128xi32, #tpu.memory_space<hbm>>) target(%arg4 : memref<80x128xi32, #tpu.memory_space<vmem>>) target_semaphore(%run_scoped3A : memref<!tpu.dma_semaphore, #tpu.memory_space<semaphore_mem>>)
      %dma_wait3A = arith.constant 0 : i32
      %dma_wait3A_47 = arith.constant 0 : i32
      %dma_wait3A_48 = tpu.memref_slice %arg2[%arg1, %dma_wait3A, %dma_wait3A_47] : memref<16x160x128xi32, #tpu.memory_space<hbm>> -> memref<1x160x128xi32, #tpu.memory_space<hbm>>
      %dma_wait3A_49 = tpu.memref_squeeze %dma_wait3A_48 : memref<1x160x128xi32, #tpu.memory_space<hbm>> -> memref<160x128xi32, #tpu.memory_space<hbm>>
      %dma_wait3A_50 = arith.constant 0 : i32
      %dma_wait3A_51 = tpu.memref_slice %dma_wait3A_49[%mul3A_0, %dma_wait3A_50] : memref<160x128xi32, #tpu.memory_space<hbm>> -> memref<80x128xi32, #tpu.memory_space<hbm>>
      %dma_wait3A_52 = arith.constant 0 : i32
      %dma_wait3A_53 = arith.constant 0 : i32
      %dma_wait3A_54 = tpu.memref_slice %arg2[%arg1, %dma_wait3A_52, %dma_wait3A_53] : memref<16x160x128xi32, #tpu.memory_space<hbm>> -> memref<1x160x128xi32, #tpu.memory_space<hbm>>
      %dma_wait3A_55 = tpu.memref_squeeze %dma_wait3A_54 : memref<1x160x128xi32, #tpu.memory_space<hbm>> -> memref<160x128xi32, #tpu.memory_space<hbm>>
      %dma_wait3A_56 = arith.constant 0 : i32
      %dma_wait3A_57 = tpu.memref_slice %dma_wait3A_55[%mul3A_0, %dma_wait3A_56] : memref<160x128xi32, #tpu.memory_space<hbm>> -> memref<80x128xi32, #tpu.memory_space<hbm>>
      tpu.wait_dma2 semaphore(%run_scoped3A : memref<!tpu.dma_semaphore, #tpu.memory_space<semaphore_mem>>) src(%dma_wait3A_57 : memref<80x128xi32, #tpu.memory_space<hbm>>) dst(%arg4 : memref<80x128xi32, #tpu.memory_space<vmem>>)
      tpu.yield
    }) : () -> ()
    %scan3A = arith.constant 0 : i32
    %scan3A_1 = arith.constant 0 : i32
    %scan3A_2 = arith.constant 128 : i32
    %scan3A_3 = arith.addi %scan3A_1, %scan3A_2 : i32
    %scan3A_4 = arith.constant 1 : i32
    scf.for %scan3A_36 = %scan3A_1 to %scan3A_3 step %scan3A_4  : i32 {
      %broadcast_in_dim3A = arith.constant 1.000000e+00 : f32
      %broadcast_in_dim3A_37 = vector.broadcast %broadcast_in_dim3A : f32 to vector<16xf32>
      %swap3A = arith.index_cast %scan3A_36 : i32 to index
      %swap3A_38 = arith.constant 0 : index
      %swap3A_39 = tpu.vector_load %arg5[%swap3A, %swap3A_38] {strides = array<i32>} : memref<128x16xf32, #tpu.memory_space<vmem>>, vector<16xf32>,
      tpu.vector_store %arg5[%swap3A, %swap3A_38], %broadcast_in_dim3A_37 {strides = array<i32>} : memref<128x16xf32, #tpu.memory_space<vmem>>, vector<16xf32>,
      %broadcast_in_dim3A_40 = arith.constant 0.000000e+00 : f32
      %broadcast_in_dim3A_41 = vector.broadcast %broadcast_in_dim3A_40 : f32 to vector<16xf32>
      %swap3A_42 = arith.index_cast %scan3A_36 : i32 to index
      %swap3A_43 = arith.constant 0 : index
      %swap3A_44 = tpu.vector_load %arg6[%swap3A_42, %swap3A_43] {strides = array<i32>} : memref<128x16xf32, #tpu.memory_space<vmem>>, vector<16xf32>,
      tpu.vector_store %arg6[%swap3A_42, %swap3A_43], %broadcast_in_dim3A_41 {strides = array<i32>} : memref<128x16xf32, #tpu.memory_space<vmem>>, vector<16xf32>,
    }
    %scan3A_5 = arith.constant 128 : i32
    %mul3A_6 = arith.constant 640 : i32
    %mul3A_7 = arith.muli %arg1, %mul3A_6 : i32
    %add3A = arith.constant 0 : i32
    %add3A_8 = arith.addi %mul3A_7, %add3A : i32
    "tpu.region"() ({
      %run_scoped3A = tpu.sem_alloc : memref<!tpu.dma_semaphore, #tpu.memory_space<semaphore_mem>>
      %dma_start3A = arith.constant 0 : i32
      %dma_start3A_36 = tpu.memref_slice %arg7[%add3A_8, %dma_start3A] : memref<10240x16xf32, #tpu.memory_space<vmem_shared>> -> memref<128x16xf32, #tpu.memory_space<vmem_shared>>
      %dma_start3A_37 = arith.constant 0 : i32
      %dma_start3A_38 = tpu.memref_slice %arg7[%add3A_8, %dma_start3A_37] : memref<10240x16xf32, #tpu.memory_space<vmem_shared>> -> memref<128x16xf32, #tpu.memory_space<vmem_shared>>
      tpu.enqueue_dma source(%arg6 : memref<128x16xf32, #tpu.memory_space<vmem>>) target(%dma_start3A_38 : memref<128x16xf32, #tpu.memory_space<vmem_shared>>) target_semaphore(%run_scoped3A : memref<!tpu.dma_semaphore, #tpu.memory_space<semaphore_mem>>)
      %dma_wait3A = arith.constant 0 : i32
      %dma_wait3A_39 = tpu.memref_slice %arg7[%add3A_8, %dma_wait3A] : memref<10240x16xf32, #tpu.memory_space<vmem_shared>> -> memref<128x16xf32, #tpu.memory_space<vmem_shared>>
      %dma_wait3A_40 = arith.constant 0 : i32
      %dma_wait3A_41 = tpu.memref_slice %arg7[%add3A_8, %dma_wait3A_40] : memref<10240x16xf32, #tpu.memory_space<vmem_shared>> -> memref<128x16xf32, #tpu.memory_space<vmem_shared>>
      tpu.wait_dma2 semaphore(%run_scoped3A : memref<!tpu.dma_semaphore, #tpu.memory_space<semaphore_mem>>) src(%arg6 : memref<128x16xf32, #tpu.memory_space<vmem>>) dst(%dma_wait3A_41 : memref<128x16xf32, #tpu.memory_space<vmem_shared>>)
      tpu.yield
    }) : () -> ()
    %mul3A_9 = arith.constant 640 : i32
    %mul3A_10 = arith.muli %arg1, %mul3A_9 : i32
    %add3A_11 = arith.constant 128 : i32
    %add3A_12 = arith.addi %mul3A_10, %add3A_11 : i32
    "tpu.region"() ({
      %run_scoped3A = tpu.sem_alloc : memref<!tpu.dma_semaphore, #tpu.memory_space<semaphore_mem>>
      %dma_start3A = arith.constant 0 : i32
      %dma_start3A_36 = tpu.memref_slice %arg7[%add3A_12, %dma_start3A] : memref<10240x16xf32, #tpu.memory_space<vmem_shared>> -> memref<128x16xf32, #tpu.memory_space<vmem_shared>>
      %dma_start3A_37 = arith.constant 0 : i32
      %dma_start3A_38 = tpu.memref_slice %arg7[%add3A_12, %dma_start3A_37] : memref<10240x16xf32, #tpu.memory_space<vmem_shared>> -> memref<128x16xf32, #tpu.memory_space<vmem_shared>>
      tpu.enqueue_dma source(%arg6 : memref<128x16xf32, #tpu.memory_space<vmem>>) target(%dma_start3A_38 : memref<128x16xf32, #tpu.memory_space<vmem_shared>>) target_semaphore(%run_scoped3A : memref<!tpu.dma_semaphore, #tpu.memory_space<semaphore_mem>>)
      %dma_wait3A = arith.constant 0 : i32
      %dma_wait3A_39 = tpu.memref_slice %arg7[%add3A_12, %dma_wait3A] : memref<10240x16xf32, #tpu.memory_space<vmem_shared>> -> memref<128x16xf32, #tpu.memory_space<vmem_shared>>
      %dma_wait3A_40 = arith.constant 0 : i32
      %dma_wait3A_41 = tpu.memref_slice %arg7[%add3A_12, %dma_wait3A_40] : memref<10240x16xf32, #tpu.memory_space<vmem_shared>> -> memref<128x16xf32, #tpu.memory_space<vmem_shared>>
      tpu.wait_dma2 semaphore(%run_scoped3A : memref<!tpu.dma_semaphore, #tpu.memory_space<semaphore_mem>>) src(%arg6 : memref<128x16xf32, #tpu.memory_space<vmem>>) dst(%dma_wait3A_41 : memref<128x16xf32, #tpu.memory_space<vmem_shared>>)
      tpu.yield
    }) : () -> ()
    %mul3A_13 = arith.constant 640 : i32
    %mul3A_14 = arith.muli %arg1, %mul3A_13 : i32
    %add3A_15 = arith.constant 256 : i32
    %add3A_16 = arith.addi %mul3A_14, %add3A_15 : i32
    "tpu.region"() ({
      %run_scoped3A = tpu.sem_alloc : memref<!tpu.dma_semaphore, #tpu.memory_space<semaphore_mem>>
      %dma_start3A = arith.constant 0 : i32
      %dma_start3A_36 = tpu.memref_slice %arg7[%add3A_16, %dma_start3A] : memref<10240x16xf32, #tpu.memory_space<vmem_shared>> -> memref<128x16xf32, #tpu.memory_space<vmem_shared>>
      %dma_start3A_37 = arith.constant 0 : i32
      %dma_start3A_38 = tpu.memref_slice %arg7[%add3A_16, %dma_start3A_37] : memref<10240x16xf32, #tpu.memory_space<vmem_shared>> -> memref<128x16xf32, #tpu.memory_space<vmem_shared>>
      tpu.enqueue_dma source(%arg6 : memref<128x16xf32, #tpu.memory_space<vmem>>) target(%dma_start3A_38 : memref<128x16xf32, #tpu.memory_space<vmem_shared>>) target_semaphore(%run_scoped3A : memref<!tpu.dma_semaphore, #tpu.memory_space<semaphore_mem>>)
      %dma_wait3A = arith.constant 0 : i32
      %dma_wait3A_39 = tpu.memref_slice %arg7[%add3A_16, %dma_wait3A] : memref<10240x16xf32, #tpu.memory_space<vmem_shared>> -> memref<128x16xf32, #tpu.memory_space<vmem_shared>>
      %dma_wait3A_40 = arith.constant 0 : i32
      %dma_wait3A_41 = tpu.memref_slice %arg7[%add3A_16, %dma_wait3A_40] : memref<10240x16xf32, #tpu.memory_space<vmem_shared>> -> memref<128x16xf32, #tpu.memory_space<vmem_shared>>
      tpu.wait_dma2 semaphore(%run_scoped3A : memref<!tpu.dma_semaphore, #tpu.memory_space<semaphore_mem>>) src(%arg6 : memref<128x16xf32, #tpu.memory_space<vmem>>) dst(%dma_wait3A_41 : memref<128x16xf32, #tpu.memory_space<vmem_shared>>)
      tpu.yield
    }) : () -> ()
    %mul3A_17 = arith.constant 640 : i32
    %mul3A_18 = arith.muli %arg1, %mul3A_17 : i32
    %add3A_19 = arith.constant 384 : i32
    %add3A_20 = arith.addi %mul3A_18, %add3A_19 : i32
    "tpu.region"() ({
      %run_scoped3A = tpu.sem_alloc : memref<!tpu.dma_semaphore, #tpu.memory_space<semaphore_mem>>
      %dma_start3A = arith.constant 0 : i32
      %dma_start3A_36 = tpu.memref_slice %arg7[%add3A_20, %dma_start3A] : memref<10240x16xf32, #tpu.memory_space<vmem_shared>> -> memref<128x16xf32, #tpu.memory_space<vmem_shared>>
      %dma_start3A_37 = arith.constant 0 : i32
      %dma_start3A_38 = tpu.memref_slice %arg7[%add3A_20, %dma_start3A_37] : memref<10240x16xf32, #tpu.memory_space<vmem_shared>> -> memref<128x16xf32, #tpu.memory_space<vmem_shared>>
      tpu.enqueue_dma source(%arg6 : memref<128x16xf32, #tpu.memory_space<vmem>>) target(%dma_start3A_38 : memref<128x16xf32, #tpu.memory_space<vmem_shared>>) target_semaphore(%run_scoped3A : memref<!tpu.dma_semaphore, #tpu.memory_space<semaphore_mem>>)
      %dma_wait3A = arith.constant 0 : i32
      %dma_wait3A_39 = tpu.memref_slice %arg7[%add3A_20, %dma_wait3A] : memref<10240x16xf32, #tpu.memory_space<vmem_shared>> -> memref<128x16xf32, #tpu.memory_space<vmem_shared>>
      %dma_wait3A_40 = arith.constant 0 : i32
      %dma_wait3A_41 = tpu.memref_slice %arg7[%add3A_20, %dma_wait3A_40] : memref<10240x16xf32, #tpu.memory_space<vmem_shared>> -> memref<128x16xf32, #tpu.memory_space<vmem_shared>>
      tpu.wait_dma2 semaphore(%run_scoped3A : memref<!tpu.dma_semaphore, #tpu.memory_space<semaphore_mem>>) src(%arg6 : memref<128x16xf32, #tpu.memory_space<vmem>>) dst(%dma_wait3A_41 : memref<128x16xf32, #tpu.memory_space<vmem_shared>>)
      tpu.yield
    }) : () -> ()
    %mul3A_21 = arith.constant 640 : i32
    %mul3A_22 = arith.muli %arg1, %mul3A_21 : i32
    %add3A_23 = arith.constant 512 : i32
    %add3A_24 = arith.addi %mul3A_22, %add3A_23 : i32
    "tpu.region"() ({
      %run_scoped3A = tpu.sem_alloc : memref<!tpu.dma_semaphore, #tpu.memory_space<semaphore_mem>>
      %dma_start3A = arith.constant 0 : i32
      %dma_start3A_36 = tpu.memref_slice %arg7[%add3A_24, %dma_start3A] : memref<10240x16xf32, #tpu.memory_space<vmem_shared>> -> memref<128x16xf32, #tpu.memory_space<vmem_shared>>
      %dma_start3A_37 = arith.constant 0 : i32
      %dma_start3A_38 = tpu.memref_slice %arg7[%add3A_24, %dma_start3A_37] : memref<10240x16xf32, #tpu.memory_space<vmem_shared>> -> memref<128x16xf32, #tpu.memory_space<vmem_shared>>
      tpu.enqueue_dma source(%arg6 : memref<128x16xf32, #tpu.memory_space<vmem>>) target(%dma_start3A_38 : memref<128x16xf32, #tpu.memory_space<vmem_shared>>) target_semaphore(%run_scoped3A : memref<!tpu.dma_semaphore, #tpu.memory_space<semaphore_mem>>)
      %dma_wait3A = arith.constant 0 : i32
      %dma_wait3A_39 = tpu.memref_slice %arg7[%add3A_24, %dma_wait3A] : memref<10240x16xf32, #tpu.memory_space<vmem_shared>> -> memref<128x16xf32, #tpu.memory_space<vmem_shared>>
      %dma_wait3A_40 = arith.constant 0 : i32
      %dma_wait3A_41 = tpu.memref_slice %arg7[%add3A_24, %dma_wait3A_40] : memref<10240x16xf32, #tpu.memory_space<vmem_shared>> -> memref<128x16xf32, #tpu.memory_space<vmem_shared>>
      tpu.wait_dma2 semaphore(%run_scoped3A : memref<!tpu.dma_semaphore, #tpu.memory_space<semaphore_mem>>) src(%arg6 : memref<128x16xf32, #tpu.memory_space<vmem>>) dst(%dma_wait3A_41 : memref<128x16xf32, #tpu.memory_space<vmem_shared>>)
      tpu.yield
    }) : () -> ()
    %barrier3A = arith.constant 0 : index
    tpu.barrier barrier_id(%barrier3A)
    %scan3A_25 = arith.constant 0 : i32
    %scan3A_26 = arith.constant 0 : i32
    %scan3A_27 = arith.constant 80 : i32
    %scan3A_28 = arith.addi %scan3A_26, %scan3A_27 : i32
    %scan3A_29 = arith.constant 1 : i32
    scf.for %scan3A_36 = %scan3A_26 to %scan3A_28 step %scan3A_29  : i32 {
      "tpu.region"() ({
        %run_scoped3A = tpu.sem_alloc : memref<!tpu.dma_semaphore, #tpu.memory_space<semaphore_mem>>
        %dma_start3A = arith.constant 0 : i32
        %dma_start3A_37 = tpu.memref_slice %arg4[%scan3A_36, %dma_start3A] : memref<80x128xi32, #tpu.memory_space<vmem>> -> memref<1x128xi32, #tpu.memory_space<vmem>>
        %dma_start3A_38 = tpu.memref_squeeze %dma_start3A_37 : memref<1x128xi32, #tpu.memory_space<vmem>> -> memref<128xi32, #tpu.memory_space<vmem>>
        %dma_start3A_39 = arith.constant 0 : i32
        %dma_start3A_40 = arith.constant 0 : i32
        %dma_start3A_41 = tpu.memref_slice %arg7[%dma_start3A_39, %dma_start3A_40] : memref<10240x16xf32, #tpu.memory_space<vmem_shared>> -> memref<10240x16xf32, #tpu.memory_space<vmem_shared>>
        tpu.enqueue_indirect_dma source(%arg5 : memref<128x16xf32, #tpu.memory_space<vmem>>) target(%dma_start3A_41 : memref<10240x16xf32, #tpu.memory_space<vmem_shared>>) offsets(%dma_start3A_38 : memref<128xi32, #tpu.memory_space<vmem>>) semaphore(%run_scoped3A : memref<!tpu.dma_semaphore, #tpu.memory_space<semaphore_mem>>) {add = true}
        %dma_wait3A = arith.constant 0 : i32
        %dma_wait3A_42 = tpu.memref_slice %arg4[%scan3A_36, %dma_wait3A] : memref<80x128xi32, #tpu.memory_space<vmem>> -> memref<1x128xi32, #tpu.memory_space<vmem>>
        %dma_wait3A_43 = tpu.memref_squeeze %dma_wait3A_42 : memref<1x128xi32, #tpu.memory_space<vmem>> -> memref<128xi32, #tpu.memory_space<vmem>>
        %dma_wait3A_44 = arith.constant 0 : i32
        %dma_wait3A_45 = arith.constant 0 : i32
        %dma_wait3A_46 = tpu.memref_slice %arg7[%dma_wait3A_44, %dma_wait3A_45] : memref<10240x16xf32, #tpu.memory_space<vmem_shared>> -> memref<10240x16xf32, #tpu.memory_space<vmem_shared>>
        tpu.wait_indirect_dma semaphore(%run_scoped3A : memref<!tpu.dma_semaphore, #tpu.memory_space<semaphore_mem>>) src(%arg5 : memref<128x16xf32, #tpu.memory_space<vmem>>) dst(%dma_wait3A_46 : memref<10240x16xf32, #tpu.memory_space<vmem_shared>>)
        tpu.yield
      }) : () -> ()
    }
    %scan3A_30 = arith.constant 80 : i32
    %barrier3A_31 = arith.constant 0 : index
    tpu.barrier barrier_id(%barrier3A_31)
    %mul3A_32 = arith.constant 640 : i32
    %mul3A_33 = arith.muli %arg1, %mul3A_32 : i32
    %mul3A_34 = arith.constant 640 : i32
    %mul3A_35 = arith.muli %arg1, %mul3A_34 : i32
    "tpu.region"() ({
      %run_scoped3A = tpu.sem_alloc : memref<!tpu.dma_semaphore, #tpu.memory_space<semaphore_mem>>
      %dma_start3A = arith.constant 0 : i32
      %dma_start3A_36 = arith.constant 0 : i32
      %dma_start3A_37 = tpu.memref_slice %arg3[%arg0, %dma_start3A, %dma_start3A_36] : memref<2x10240x16xf32, #tpu.memory_space<hbm>> -> memref<1x10240x16xf32, #tpu.memory_space<hbm>>
      %dma_start3A_38 = tpu.memref_squeeze %dma_start3A_37 : memref<1x10240x16xf32, #tpu.memory_space<hbm>> -> memref<10240x16xf32, #tpu.memory_space<hbm>>
      %dma_start3A_39 = arith.constant 0 : i32
      %dma_start3A_40 = tpu.memref_slice %dma_start3A_38[%mul3A_35, %dma_start3A_39] : memref<10240x16xf32, #tpu.memory_space<hbm>> -> memref<640x16xf32, #tpu.memory_space<hbm>>
      %dma_start3A_41 = arith.constant 0 : i32
      %dma_start3A_42 = tpu.memref_slice %arg7[%mul3A_33, %dma_start3A_41] : memref<10240x16xf32, #tpu.memory_space<vmem_shared>> -> memref<640x16xf32, #tpu.memory_space<vmem_shared>>
      tpu.enqueue_dma source(%dma_start3A_42 : memref<640x16xf32, #tpu.memory_space<vmem_shared>>) target(%dma_start3A_40 : memref<640x16xf32, #tpu.memory_space<hbm>>) target_semaphore(%run_scoped3A : memref<!tpu.dma_semaphore, #tpu.memory_space<semaphore_mem>>)
      %dma_wait3A = arith.constant 0 : i32
      %dma_wait3A_43 = arith.constant 0 : i32
      %dma_wait3A_44 = tpu.memref_slice %arg3[%arg0, %dma_wait3A, %dma_wait3A_43] : memref<2x10240x16xf32, #tpu.memory_space<hbm>> -> memref<1x10240x16xf32, #tpu.memory_space<hbm>>
      %dma_wait3A_45 = tpu.memref_squeeze %dma_wait3A_44 : memref<1x10240x16xf32, #tpu.memory_space<hbm>> -> memref<10240x16xf32, #tpu.memory_space<hbm>>
      %dma_wait3A_46 = arith.constant 0 : i32
      %dma_wait3A_47 = tpu.memref_slice %dma_wait3A_45[%mul3A_35, %dma_wait3A_46] : memref<10240x16xf32, #tpu.memory_space<hbm>> -> memref<640x16xf32, #tpu.memory_space<hbm>>
      %dma_wait3A_48 = arith.constant 0 : i32
      %dma_wait3A_49 = tpu.memref_slice %arg7[%mul3A_33, %dma_wait3A_48] : memref<10240x16xf32, #tpu.memory_space<vmem_shared>> -> memref<640x16xf32, #tpu.memory_space<vmem_shared>>
      tpu.wait_dma2 semaphore(%run_scoped3A : memref<!tpu.dma_semaphore, #tpu.memory_space<semaphore_mem>>) src(%dma_wait3A_49 : memref<640x16xf32, #tpu.memory_space<vmem_shared>>) dst(%dma_wait3A_47 : memref<640x16xf32, #tpu.memory_space<hbm>>)
      tpu.yield
    }) : () -> ()
    return
  }
}

module attributes {stable_mosaic.version = 14 : i64} {
  func.func @_prep_body(%arg0: i32, %arg1: memref<2x1024x16xf32, #tpu.memory_space<vmem>>, %arg2: memref<1024x128xf32, #tpu.memory_space<vmem>>, %arg3: memref<1024x1xf32, #tpu.memory_space<vmem>>, %arg4: memref<1024x1xf32, #tpu.memory_space<vmem>>, %arg5: memref<2x1024x64xbf16, #tpu.memory_space<vmem>>) attributes {dimension_semantics = [#tpu.dimension_semantics<arbitrary>], iteration_bounds = array<i64: 10>, scalar_prefetch = 0 : i64, scratch_operands = 0 : i64, tpu.core_type = #tpu.core_type<tc>, window_params = [{transform_indices = @transform_0, window_bounds = array<i64: 2, 1024, 16>}, {transform_indices = @transform_1, window_bounds = array<i64: 1024, 128>}, {transform_indices = @transform_2, window_bounds = array<i64: 1024, 1>}, {transform_indices = @transform_3, window_bounds = array<i64: 1024, 1>}, {transform_indices = @transform_4, window_bounds = array<i64: 2, 1024, 64>}]} {
    %get3A = arith.constant 0 : index
    %get3A_0 = arith.constant 0 : index
    %get3A_1 = arith.constant 0 : index
    %get3A_2 = vector.load %arg1[%get3A, %get3A_0, %get3A_1] : memref<2x1024x16xf32, #tpu.memory_space<vmem>>, vector<1x1024x16xf32>
    %get3A_3 = vector.shape_cast %get3A_2 : vector<1x1024x16xf32> to vector<1024x16xf32>
    %slice3A = vector.extract_strided_slice %get3A_3 {offsets = [0, 0], sizes = [1024, 1], strides = [1, 1]} : vector<1024x16xf32> to vector<1024x1xf32>
    %add3A = arith.constant 1.000000e+00 : f32
    %add3A_4 = vector.broadcast %add3A : f32 to vector<1024x1xf32>
    %add3A_5 = arith.addf %add3A_4, %slice3A : vector<1024x1xf32>
    %get3A_6 = arith.constant 1 : index
    %get3A_7 = arith.constant 0 : index
    %get3A_8 = arith.constant 0 : index
    %get3A_9 = vector.load %arg1[%get3A_6, %get3A_7, %get3A_8] : memref<2x1024x16xf32, #tpu.memory_space<vmem>>, vector<1x1024x16xf32>
    %get3A_10 = vector.shape_cast %get3A_9 : vector<1x1024x16xf32> to vector<1024x16xf32>
    %slice3A_11 = vector.extract_strided_slice %get3A_10 {offsets = [0, 0], sizes = [1024, 1], strides = [1, 1]} : vector<1024x16xf32> to vector<1024x1xf32>
    %add3A_12 = arith.addf %add3A_5, %slice3A_11 : vector<1024x1xf32>
    %div3A = arith.constant 1.000000e+00 : f32
    %div3A_13 = vector.broadcast %div3A : f32 to vector<1024x1xf32>
    %div3A_14 = arith.divf %div3A_13, %add3A_12 : vector<1024x1xf32>
    %rsqrt3A = math.rsqrt %add3A_12 : vector<1024x1xf32>
    %get3A_15 = arith.constant 0 : index
    %get3A_16 = arith.constant 0 : index
    %get3A_17 = vector.load %arg2[%get3A_15, %get3A_16] : memref<1024x128xf32, #tpu.memory_space<vmem>>, vector<1024x128xf32>
    %mul3A = vector.broadcast %rsqrt3A : vector<1024x1xf32> to vector<1024x128xf32>
    %mul3A_18 = arith.mulf %get3A_17, %mul3A : vector<1024x128xf32>
    %swap3A = arith.constant 0 : index
    %swap3A_19 = arith.constant 0 : index
    %swap3A_20 = vector.load %arg3[%swap3A, %swap3A_19] : memref<1024x1xf32, #tpu.memory_space<vmem>>, vector<1024x1xf32>
    tpu.vector_store %arg3[%swap3A, %swap3A_19], %rsqrt3A {strides = array<i32>} : memref<1024x1xf32, #tpu.memory_space<vmem>>, vector<1024x1xf32>,
    %swap3A_21 = arith.constant 0 : index
    %swap3A_22 = arith.constant 0 : index
    %swap3A_23 = vector.load %arg4[%swap3A_21, %swap3A_22] : memref<1024x1xf32, #tpu.memory_space<vmem>>, vector<1024x1xf32>
    tpu.vector_store %arg4[%swap3A_21, %swap3A_22], %div3A_14 {strides = array<i32>} : memref<1024x1xf32, #tpu.memory_space<vmem>>, vector<1024x1xf32>,
    %slice3A_24 = vector.extract_strided_slice %mul3A_18 {offsets = [0, 0], sizes = [1024, 64], strides = [1, 1]} : vector<1024x128xf32> to vector<1024x64xf32>
    %convert_element_type3A = arith.truncf %slice3A_24 : vector<1024x64xf32> to vector<1024x64xbf16>
    %swap3A_25 = arith.constant 0 : index
    %swap3A_26 = arith.constant 0 : index
    %swap3A_27 = arith.constant 0 : index
    %swap3A_28 = vector.load %arg5[%swap3A_25, %swap3A_26, %swap3A_27] : memref<2x1024x64xbf16, #tpu.memory_space<vmem>>, vector<1x1024x64xbf16>
    %swap3A_29 = vector.shape_cast %swap3A_28 : vector<1x1024x64xbf16> to vector<1024x64xbf16>
    %swap3A_30 = vector.shape_cast %convert_element_type3A : vector<1024x64xbf16> to vector<1x1024x64xbf16>
    tpu.vector_store %arg5[%swap3A_25, %swap3A_26, %swap3A_27], %swap3A_30 {strides = array<i32>} : memref<2x1024x64xbf16, #tpu.memory_space<vmem>>, vector<1x1024x64xbf16>,
    %slice3A_31 = vector.extract_strided_slice %mul3A_18 {offsets = [0, 64], sizes = [1024, 64], strides = [1, 1]} : vector<1024x128xf32> to vector<1024x64xf32>
    %convert_element_type3A_32 = arith.truncf %slice3A_31 : vector<1024x64xf32> to vector<1024x64xbf16>
    %swap3A_33 = arith.constant 1 : index
    %swap3A_34 = arith.constant 0 : index
    %swap3A_35 = arith.constant 0 : index
    %swap3A_36 = vector.load %arg5[%swap3A_33, %swap3A_34, %swap3A_35] : memref<2x1024x64xbf16, #tpu.memory_space<vmem>>, vector<1x1024x64xbf16>
    %swap3A_37 = vector.shape_cast %swap3A_36 : vector<1x1024x64xbf16> to vector<1024x64xbf16>
    %swap3A_38 = vector.shape_cast %convert_element_type3A_32 : vector<1024x64xbf16> to vector<1x1024x64xbf16>
    tpu.vector_store %arg5[%swap3A_33, %swap3A_34, %swap3A_35], %swap3A_38 {strides = array<i32>} : memref<2x1024x64xbf16, #tpu.memory_space<vmem>>, vector<1x1024x64xbf16>,
    return
  }
  func.func @transform_0(%arg0: i32) -> (i32, i32, i32) {
    %c0_i32 = arith.constant 0 : i32
    %c0_i32_0 = arith.constant 0 : i32
    %c0_i32_1 = arith.constant 0 : i32
    return %c0_i32, %arg0, %c0_i32_0 : i32, i32, i32
  }
  func.func @transform_1(%arg0: i32) -> (i32, i32) {
    %c0_i32 = arith.constant 0 : i32
    %c0_i32_0 = arith.constant 0 : i32
    return %arg0, %c0_i32 : i32, i32
  }
  func.func @transform_2(%arg0: i32) -> (i32, i32) {
    %c0_i32 = arith.constant 0 : i32
    %c0_i32_0 = arith.constant 0 : i32
    return %arg0, %c0_i32 : i32, i32
  }
  func.func @transform_3(%arg0: i32) -> (i32, i32) {
    %c0_i32 = arith.constant 0 : i32
    %c0_i32_0 = arith.constant 0 : i32
    return %arg0, %c0_i32 : i32, i32
  }
  func.func @transform_4(%arg0: i32) -> (i32, i32, i32) {
    %c0_i32 = arith.constant 0 : i32
    %c0_i32_0 = arith.constant 0 : i32
    %c0_i32_1 = arith.constant 0 : i32
    return %c0_i32, %arg0, %c0_i32_0 : i32, i32, i32
  }
}

module attributes {stable_mosaic.version = 14 : i64} {
  func.func @_layer_body(%arg0: i32, %arg1: memref<2x1024x64xf32, #tpu.memory_space<vmem>>, %arg2: memref<1024x128xf32, #tpu.memory_space<vmem>>, %arg3: memref<1024x1xf32, #tpu.memory_space<vmem>>, %arg4: memref<1024x1xf32, #tpu.memory_space<vmem>>, %arg5: memref<128x128xf32, #tpu.memory_space<vmem>>, %arg6: memref<128x128xf32, #tpu.memory_space<vmem>>, %arg7: memref<1x128xf32, #tpu.memory_space<vmem>>, %arg8: memref<1x1xf32, #tpu.memory_space<vmem>>, %arg9: memref<1024x128xf32, #tpu.memory_space<vmem>>, %arg10: memref<2x1024x64xbf16, #tpu.memory_space<vmem>>, %arg11: memref<1024x128xf32, #tpu.memory_space<vmem>>) attributes {dimension_semantics = [#tpu.dimension_semantics<arbitrary>], iteration_bounds = array<i64: 10>, scalar_prefetch = 0 : i64, scratch_operands = 0 : i64, tpu.core_type = #tpu.core_type<tc>, window_params = [{transform_indices = @transform_0, window_bounds = array<i64: 2, 1024, 64>}, {transform_indices = @transform_1, window_bounds = array<i64: 1024, 128>}, {transform_indices = @transform_2, window_bounds = array<i64: 1024, 1>}, {transform_indices = @transform_3, window_bounds = array<i64: 1024, 1>}, {pipeline_mode = #tpu.pipeline_mode<synchronous>, transform_indices = @transform_4, window_bounds = array<i64: 128, 128>}, {pipeline_mode = #tpu.pipeline_mode<synchronous>, transform_indices = @transform_5, window_bounds = array<i64: 128, 128>}, {pipeline_mode = #tpu.pipeline_mode<synchronous>, transform_indices = @transform_6, window_bounds = array<i64: 1, 128>}, {pipeline_mode = #tpu.pipeline_mode<synchronous>, transform_indices = @transform_7, window_bounds = array<i64: 1, 1>}, {transform_indices = @transform_8, window_bounds = array<i64: 1024, 128>}, {transform_indices = @transform_9, window_bounds = array<i64: 2, 1024, 64>}, {transform_indices = @transform_10, window_bounds = array<i64: 1024, 128>}]} {
    %get3A = arith.constant 0 : index
    %get3A_0 = arith.constant 0 : index
    %get3A_1 = arith.constant 0 : index
    %get3A_2 = vector.load %arg1[%get3A, %get3A_0, %get3A_1] : memref<2x1024x64xf32, #tpu.memory_space<vmem>>, vector<1x1024x64xf32>
    %get3A_3 = vector.shape_cast %get3A_2 : vector<1x1024x64xf32> to vector<1024x64xf32>
    %get3A_4 = arith.constant 1 : index
    %get3A_5 = arith.constant 0 : index
    %get3A_6 = arith.constant 0 : index
    %get3A_7 = vector.load %arg1[%get3A_4, %get3A_5, %get3A_6] : memref<2x1024x64xf32, #tpu.memory_space<vmem>>, vector<1x1024x64xf32>
    %get3A_8 = vector.shape_cast %get3A_7 : vector<1x1024x64xf32> to vector<1024x64xf32>
    %concatenate3A = tpu.concatenate %get3A_3, %get3A_8 in 1 : vector<1024x64xf32>, vector<1024x64xf32> -> vector<1024x128xf32>
    %get3A_9 = arith.constant 0 : index
    %get3A_10 = arith.constant 0 : index
    %get3A_11 = vector.load %arg6[%get3A_9, %get3A_10] : memref<128x128xf32, #tpu.memory_space<vmem>>, vector<128x128xf32>
    %dot_general3A = arith.constant dense<0.000000e+00> : vector<1024x128xf32>
    %dot_general3A_12 = tpu.matmul %concatenate3A, %get3A_11, %dot_general3A {dimension_numbers = #tpu.dot_dimension_numbers<[1], [0], [0], [1], [0, 0, 1, 1], [], []>, transpose_lhs_hint = false} : vector<1024x128xf32>, vector<128x128xf32>, vector<1024x128xf32> -> vector<1024x128xf32>
    %get3A_13 = arith.constant 0 : index
    %get3A_14 = arith.constant 0 : index
    %get3A_15 = vector.load %arg2[%get3A_13, %get3A_14] : memref<1024x128xf32, #tpu.memory_space<vmem>>, vector<1024x128xf32>
    %get3A_16 = arith.constant 0 : index
    %get3A_17 = arith.constant 0 : index
    %get3A_18 = vector.load %arg5[%get3A_16, %get3A_17] : memref<128x128xf32, #tpu.memory_space<vmem>>, vector<128x128xf32>
    %dot_general3A_19 = arith.constant dense<0.000000e+00> : vector<1024x128xf32>
    %dot_general3A_20 = tpu.matmul %get3A_15, %get3A_18, %dot_general3A_19 {dimension_numbers = #tpu.dot_dimension_numbers<[1], [0], [0], [1], [0, 0, 1, 1], [], []>, transpose_lhs_hint = false} : vector<1024x128xf32>, vector<128x128xf32>, vector<1024x128xf32> -> vector<1024x128xf32>
    %get3A_21 = arith.constant 0 : index
    %get3A_22 = arith.constant 0 : index
    %get3A_23 = vector.load %arg3[%get3A_21, %get3A_22] : memref<1024x1xf32, #tpu.memory_space<vmem>>, vector<1024x1xf32>
    %mul3A = vector.broadcast %get3A_23 : vector<1024x1xf32> to vector<1024x128xf32>
    %mul3A_24 = arith.mulf %mul3A, %dot_general3A_12 : vector<1024x128xf32>
    %get3A_25 = arith.constant 0 : index
    %get3A_26 = arith.constant 0 : index
    %get3A_27 = vector.load %arg4[%get3A_25, %get3A_26] : memref<1024x1xf32, #tpu.memory_space<vmem>>, vector<1024x1xf32>
    %mul3A_28 = vector.broadcast %get3A_27 : vector<1024x1xf32> to vector<1024x128xf32>
    %mul3A_29 = arith.mulf %mul3A_28, %dot_general3A_20 : vector<1024x128xf32>
    %add3A = arith.addf %mul3A_24, %mul3A_29 : vector<1024x128xf32>
    %get3A_30 = arith.constant 0 : index
    %get3A_31 = arith.constant 0 : index
    %get3A_32 = vector.load %arg7[%get3A_30, %get3A_31] : memref<1x128xf32, #tpu.memory_space<vmem>>, vector<1x128xf32>
    %add3A_33 = vector.broadcast %get3A_32 : vector<1x128xf32> to vector<1024x128xf32>
    %add3A_34 = arith.addf %add3A, %add3A_33 : vector<1024x128xf32>
    %get3A_35 = arith.constant 0 : index
    %get3A_36 = arith.constant 0 : index
    %get3A_37 = vector.load %arg8[%get3A_35, %get3A_36] : memref<1x1xf32, #tpu.memory_space<vmem>>, vector<1x1xf32>
    %gt3A = arith.constant 0.000000e+00 : f32
    %gt3A_38 = vector.broadcast %gt3A : f32 to vector<1x1xf32>
    %gt3A_39 = arith.cmpf ogt, %get3A_37, %gt3A_38 : vector<1x1xf32>
    %max3A = arith.constant 0.000000e+00 : f32
    %max3A_40 = vector.broadcast %max3A : f32 to vector<1024x128xf32>
    %max3A_41 = arith.maximumf %add3A_34, %max3A_40 : vector<1024x128xf32>
    %broadcast_in_dim3A = vector.shape_cast %gt3A_39 : vector<1x1xi1> to vector<1x1xi1>
    %broadcast_in_dim3A_42 = vector.broadcast %broadcast_in_dim3A : vector<1x1xi1> to vector<1024x128xi1>
    %select_n3A = arith.select %broadcast_in_dim3A_42, %max3A_41, %add3A_34 : vector<1024x128xi1>, vector<1024x128xf32>
    %get3A_43 = arith.constant 0 : index
    %get3A_44 = arith.constant 0 : index
    %get3A_45 = vector.load %arg3[%get3A_43, %get3A_44] : memref<1024x1xf32, #tpu.memory_space<vmem>>, vector<1024x1xf32>
    %mul3A_46 = vector.broadcast %get3A_45 : vector<1024x1xf32> to vector<1024x128xf32>
    %mul3A_47 = arith.mulf %select_n3A, %mul3A_46 : vector<1024x128xf32>
    %swap3A = arith.constant 0 : index
    %swap3A_48 = arith.constant 0 : index
    %swap3A_49 = vector.load %arg9[%swap3A, %swap3A_48] : memref<1024x128xf32, #tpu.memory_space<vmem>>, vector<1024x128xf32>
    tpu.vector_store %arg9[%swap3A, %swap3A_48], %add3A_34 {strides = array<i32>} : memref<1024x128xf32, #tpu.memory_space<vmem>>, vector<1024x128xf32>,
    %swap3A_50 = arith.constant 0 : index
    %swap3A_51 = arith.constant 0 : index
    %swap3A_52 = vector.load %arg11[%swap3A_50, %swap3A_51] : memref<1024x128xf32, #tpu.memory_space<vmem>>, vector<1024x128xf32>
    tpu.vector_store %arg11[%swap3A_50, %swap3A_51], %select_n3A {strides = array<i32>} : memref<1024x128xf32, #tpu.memory_space<vmem>>, vector<1024x128xf32>,
    %slice3A = vector.extract_strided_slice %mul3A_47 {offsets = [0, 0], sizes = [1024, 64], strides = [1, 1]} : vector<1024x128xf32> to vector<1024x64xf32>
    %convert_element_type3A = arith.truncf %slice3A : vector<1024x64xf32> to vector<1024x64xbf16>
    %swap3A_53 = arith.constant 0 : index
    %swap3A_54 = arith.constant 0 : index
    %swap3A_55 = arith.constant 0 : index
    %swap3A_56 = vector.load %arg10[%swap3A_53, %swap3A_54, %swap3A_55] : memref<2x1024x64xbf16, #tpu.memory_space<vmem>>, vector<1x1024x64xbf16>
    %swap3A_57 = vector.shape_cast %swap3A_56 : vector<1x1024x64xbf16> to vector<1024x64xbf16>
    %swap3A_58 = vector.shape_cast %convert_element_type3A : vector<1024x64xbf16> to vector<1x1024x64xbf16>
    tpu.vector_store %arg10[%swap3A_53, %swap3A_54, %swap3A_55], %swap3A_58 {strides = array<i32>} : memref<2x1024x64xbf16, #tpu.memory_space<vmem>>, vector<1x1024x64xbf16>,
    %slice3A_59 = vector.extract_strided_slice %mul3A_47 {offsets = [0, 64], sizes = [1024, 64], strides = [1, 1]} : vector<1024x128xf32> to vector<1024x64xf32>
    %convert_element_type3A_60 = arith.truncf %slice3A_59 : vector<1024x64xf32> to vector<1024x64xbf16>
    %swap3A_61 = arith.constant 1 : index
    %swap3A_62 = arith.constant 0 : index
    %swap3A_63 = arith.constant 0 : index
    %swap3A_64 = vector.load %arg10[%swap3A_61, %swap3A_62, %swap3A_63] : memref<2x1024x64xbf16, #tpu.memory_space<vmem>>, vector<1x1024x64xbf16>
    %swap3A_65 = vector.shape_cast %swap3A_64 : vector<1x1024x64xbf16> to vector<1024x64xbf16>
    %swap3A_66 = vector.shape_cast %convert_element_type3A_60 : vector<1024x64xbf16> to vector<1x1024x64xbf16>
    tpu.vector_store %arg10[%swap3A_61, %swap3A_62, %swap3A_63], %swap3A_66 {strides = array<i32>} : memref<2x1024x64xbf16, #tpu.memory_space<vmem>>, vector<1x1024x64xbf16>,
    return
  }
  func.func @transform_0(%arg0: i32) -> (i32, i32, i32) {
    %c0_i32 = arith.constant 0 : i32
    %c0_i32_0 = arith.constant 0 : i32
    %c0_i32_1 = arith.constant 0 : i32
    return %c0_i32, %arg0, %c0_i32_0 : i32, i32, i32
  }
  func.func @transform_1(%arg0: i32) -> (i32, i32) {
    %c0_i32 = arith.constant 0 : i32
    %c0_i32_0 = arith.constant 0 : i32
    return %arg0, %c0_i32 : i32, i32
  }
  func.func @transform_2(%arg0: i32) -> (i32, i32) {
    %c0_i32 = arith.constant 0 : i32
    %c0_i32_0 = arith.constant 0 : i32
    return %arg0, %c0_i32 : i32, i32
  }
  func.func @transform_3(%arg0: i32) -> (i32, i32) {
    %c0_i32 = arith.constant 0 : i32
    %c0_i32_0 = arith.constant 0 : i32
    return %arg0, %c0_i32 : i32, i32
  }
  func.func @transform_4(%arg0: i32) -> (i32, i32) {
    %c0_i32 = arith.constant 0 : i32
    %c0_i32_0 = arith.constant 0 : i32
    %c0_i32_1 = arith.constant 0 : i32
    return %c0_i32, %c0_i32_0 : i32, i32
  }
  func.func @transform_5(%arg0: i32) -> (i32, i32) {
    %c0_i32 = arith.constant 0 : i32
    %c0_i32_0 = arith.constant 0 : i32
    %c0_i32_1 = arith.constant 0 : i32
    return %c0_i32, %c0_i32_0 : i32, i32
  }
  func.func @transform_6(%arg0: i32) -> (i32, i32) {
    %c0_i32 = arith.constant 0 : i32
    %c0_i32_0 = arith.constant 0 : i32
    %c0_i32_1 = arith.constant 0 : i32
    return %c0_i32, %c0_i32_0 : i32, i32
  }
  func.func @transform_7(%arg0: i32) -> (i32, i32) {
    %c0_i32 = arith.constant 0 : i32
    %c0_i32_0 = arith.constant 0 : i32
    %c0_i32_1 = arith.constant 0 : i32
    return %c0_i32, %c0_i32_0 : i32, i32
  }
  func.func @transform_8(%arg0: i32) -> (i32, i32) {
    %c0_i32 = arith.constant 0 : i32
    %c0_i32_0 = arith.constant 0 : i32
    return %arg0, %c0_i32 : i32, i32
  }
  func.func @transform_9(%arg0: i32) -> (i32, i32, i32) {
    %c0_i32 = arith.constant 0 : i32
    %c0_i32_0 = arith.constant 0 : i32
    %c0_i32_1 = arith.constant 0 : i32
    return %c0_i32, %arg0, %c0_i32_0 : i32, i32, i32
  }
  func.func @transform_10(%arg0: i32) -> (i32, i32) {
    %c0_i32 = arith.constant 0 : i32
    %c0_i32_0 = arith.constant 0 : i32
    return %arg0, %c0_i32 : i32, i32
  }
}

</mosaic_0001>

<sc_bundles>
// kernel: closed_call.15.cloned.1.call-start
scs
__scs_entry_jumppad:
0x0: {  	(pc) =	sbr.rel $0x88, $3  }
0x1: {  	(tag) =	ssettag $0x0;
	lr =	simm.s32 $0x1  }
0x2: {  	[smem:$0x3F9B] =	sst lr;
	_ =	strace $0xD0000000  }
0x3: {  	_ = 	snop  }
0x4: {  	_ = 	snop  }
0x5: {  	_ = 	snop  }
0x6: {  	_ = 	snop  }
0x7: {  	_ = 	snop  }
__scs_overlays_trampoline_lowered:
0x8: {  	[smem:$0x3FAA] =	sst s0  }
0x9: {  	[smem:$0x3FAB] =	sst s1  }
0xa: {  	[smem:$0x3FAC] =	sst s2  }
0xb: {  	[smem:$0x3FAD] =	sst s3  }
0xc: {  	[smem:$0x3FAE] =	sst s4  }
0xd: {  	[smem:$0x3FAF] =	sst s5  }
0xe: {  	[smem:$0x3FB0] =	sst s6  }
0xf: {  	[smem:$0x3FB1] =	sst s7  }
0x10: {  	[smem:$0x3FB2] =	sst s8  }
0x11: {  	[smem:$0x3FB3] =	sst s9;
	s0 =	simm.s32 @!p0 $0x0  }
0x12: {  	s1 =	sld [smem:$0x3F99];
	s0 =	simm.s32 @p0 $0x1  }
0x13: {  	[smem:$0x3FB4] =	sst s0;
	s0 =	simm.s32 @!p1 $0x0  }
0x14: {  	s2 =	sld [smem:$0x3F98];
	s0 =	simm.s32 @p1 $0x1  }
0x15: {  	[smem:$0x3FB5] =	sst s0;
	s0 =	simm.s32 @!p2 $0x0  }
0x16: {  	s3 =	sld [smem:$0x3FDB];
	s0 =	simm.s32 @p2 $0x1  }
0x17: {  	s4 =	simm.s32 $0x1BF5;
	[smem:$0x3FB7] =	sst s0  }
0x18: {  	s0 =	sld [smem:$0x3F9A];
	_ =	swait.ge [sflag:s4], $0x0  }
0x19: {  	s7 =	sld [smem:$0x3F9B]  }
0x1a: {  	s8 =	sadd.s32 $0xFFFFE003, lr  }
0x1b: {  	s9 =	sadd.s32 $0xFFFFFEF7, lr;
	s5 =	simm.s32 $0xFFFFFFFF;
	p2 =	slt.u32 s8, $0xFFFFF086  }
0x1c: {  	p1 =	slt.u32 s9, $0xF7A;
	s5 =	simm.s32 @!p2 $0x0  }
0x1d: {  	s5 =	simm.s32 @p1 $0x1;
	p0 =	seq.s32 s7, s2  }
0x1e: {  	s7 =	smul.u32 @!p0 $0xF7A, s2;
	p2 =	seq.s32 @!p0 s5, $0x0  }
0x1f: {  	s9 =	smul.u32 $0xF7A, s1;
	s8 =	simm.s32 @!p0 $0x1BF5;
	p2 =	por !p2, p0  }
0x20: {  	[sflag:s8] =	ssyncset.s32 @!p0 $0xFFFFF086;
	s6 =	sadd.s32 @!p0 s3, s7;
	s7 =	simm.s32 @!p0 $0x108  }
0x21: {  	s3 =	sadd.s32 s3, s9;
	s6 =	sadd.s32 @!p0 $0x88, s6;
	s7 =	simm.s32 @p2 $0x1082  }
0x22: {  	[simem:s7], [sflag:s8] =	dma.local @!p0 [hbm:s6], $0xF7A  }
0x23: {  	s9 =	sor.u32 $0xD0000000, s2;
	s6 =	simm.s32 $0x108;
	_ =	swait.ge @!p0 [sflag:s8], $0x0  }
0x24: {  	s3 =	sadd.s32 $0x88, s3;
	s6 =	simm.s32 @!p1 $0x1082;
	[sflag:s4] =	ssyncset.s32 $0xFFFFF086  }
0x25: {  	[simem:s6], [sflag:s4] =	dma.local [hbm:s3], $0xF7A  }
0x26: {  	[smem:$0x3F9B] =	sst s1;
	(tag) =	ssettag s2;
	_ =	strace s9  }
0x27: {  	s1 =	sld [smem:$0x3FAB]  }
0x28: {  	s2 =	sld [smem:$0x3FAC]  }
0x29: {  	s4 =	sld [smem:$0x3FAE]  }
0x2a: {  	p0 =	seq.s32 s5, $0x0;
	s5 =	sld [smem:$0x3FAF]  }
0x2b: {  	s6 =	sld [smem:$0x3FB0]  }
0x2c: {  	s7 =	sld [smem:$0x3FB1]  }
0x2d: {  	s3 =	simm.s32 $0x108;
	s8 =	sld [smem:$0x3FB2]  }
0x2e: {  	s3 =	simm.s32 @!p0 $0x1082;
	s9 =	sld [smem:$0x3FB3]  }
0x2f: {  	lr =	sadd.s32 s0, s3;
	s0 =	sld [smem:$0x3FAA]  }
0x30: {  	s3 =	sld [smem:$0x3FAD]  }
0x31: {  	[smem:$0x3FB6] =	sst s10  }
0x32: {  	s10 =	sld [smem:$0x3FB4];
	_ =	sdelay $0x3  }
0x33: {  	p0 =	seq.s32 s10, $0x1;
	s10 =	sld [smem:$0x3FB6];
	_ =	sdelay $0x3  }
0x34: {  	[smem:$0x3FB6] =	sst s10  }
0x35: {  	s10 =	sld [smem:$0x3FB5];
	_ =	sdelay $0x3  }
0x36: {  	p1 =	seq.s32 s10, $0x1;
	s10 =	sld [smem:$0x3FB6];
	_ =	sdelay $0x3  }
0x37: {  	[smem:$0x3FB6] =	sst s10  }
0x38: {  	s10 =	sld [smem:$0x3FB7]  }
0x39: {  	_ = 	snop;
	(pc) =	sbr.ind lr, $3  }
0x3a: {  	_ = 	snop  }
0x3b: {  	_ = 	snop  }
0x3c: {  	p2 =	seq.s32 s10, $0x1;
	s10 =	sld [smem:$0x3FB6]  }
0x3d: {  	_ =	shalt  }
0x3e: {  	_ =	shalt  }
0x3f: {  	_ =	shalt  }
0x40: {  	_ =	shalt  }
0x41: {  	_ =	shalt  }
0x42: {  	_ =	shalt  }
0x43: {  	_ =	shalt  }
0x44: {  	_ =	shalt  }
0x45: {  	_ =	shalt  }
0x46: {  	_ =	shalt  }
0x47: {  	_ =	shalt  }
0x48: {  	_ =	shalt  }
0x49: {  	_ =	shalt  }
0x4a: {  	_ =	shalt  }
0x4b: {  	_ =	shalt  }
0x4c: {  	_ =	shalt  }
0x4d: {  	_ =	shalt  }
0x4e: {  	_ =	shalt  }
0x4f: {  	_ =	shalt  }
0x50: {  	_ =	shalt  }
0x51: {  	_ =	shalt  }
0x52: {  	_ =	shalt  }
0x53: {  	_ =	shalt  }
0x54: {  	_ =	shalt  }
0x55: {  	_ =	shalt  }
0x56: {  	_ =	shalt  }
0x57: {  	_ =	shalt  }
0x58: {  	_ =	shalt  }
0x59: {  	_ =	shalt  }
0x5a: {  	_ =	shalt  }
0x5b: {  	_ =	shalt  }
0x5c: {  	_ =	shalt  }
0x5d: {  	_ =	shalt  }
0x5e: {  	_ =	shalt  }
0x5f: {  	_ =	shalt  }
0x60: {  	_ =	shalt  }
0x61: {  	_ =	shalt  }
0x62: {  	_ =	shalt  }
0x63: {  	_ =	shalt  }
0x64: {  	_ =	shalt  }
0x65: {  	_ =	shalt  }
0x66: {  	_ =	shalt  }
0x67: {  	_ =	shalt  }
0x68: {  	_ =	shalt  }
0x69: {  	_ =	shalt  }
0x6a: {  	_ =	shalt  }
0x6b: {  	_ =	shalt  }
0x6c: {  	_ =	shalt  }
0x6d: {  	_ =	shalt  }
0x6e: {  	_ =	shalt  }
0x6f: {  	_ =	shalt  }
0x70: {  	_ =	shalt  }
0x71: {  	_ =	shalt  }
0x72: {  	_ =	shalt  }
0x73: {  	_ =	shalt  }
0x74: {  	_ =	shalt  }
0x75: {  	_ =	shalt  }
0x76: {  	_ =	shalt  }
0x77: {  	_ =	shalt  }
0x78: {  	_ =	shalt  }
0x79: {  	_ =	shalt  }
0x7a: {  	_ =	shalt  }
0x7b: {  	_ =	shalt  }
0x7c: {  	_ =	shalt  }
0x7d: {  	_ =	shalt  }
0x7e: {  	_ =	shalt  }
0x7f: {  	_ =	shalt  }
0x80: {  	_ =	shalt  }
0x81: {  	_ =	shalt  }
0x82: {  	_ =	shalt  }
0x83: {  	_ =	shalt  }
0x84: {  	_ =	shalt  }
0x85: {  	_ =	shalt  }
0x86: {  	_ =	shalt  }
0x87: {  	_ =	shalt  }
.Lfunc_end0:
.L_simem_size_0:
called_computation_lowered:
.L_overlay_start_0:
0x88: {  	s2 =	sld [smem:$0x3FD9]  }
0x89: {  	s3 =	sld [smem:$0x3FFE];
	_ =	sdelay $0x1  }
0x8a: {  	s1 =	srdreg.scid  }
0x8b: {  	s0 =	sand.u32 $0x1, s1  }
0x8c: {  	s17 =	sshll.u32 s0, $0xA;
	s2 =	sadd.s32 s3, s2  }
0x8d: {  	s2 =	sadd.s32 s2, s17  }
0x8e: {  	[smem:$0x3FC2] =	sst s2  }
0x8f: {  	_ = 	snop  }
0x90: {  	s2 =	sld [smem:$0x3FD0];
	(tm) =	ssettm $0x1  }
0x91: {  	s18 =	sld [smem:$0x3FFB];
	_ =	sdelay $0x3  }
0x92: {  	_ =	strace s18  }
0x93: {  	s3 =	sld [smem:$0x3FFC];
	_ =	sdelay $0x3  }
0x94: {  	_ =	strace s3  }
0x95: {  	s3 =	sld [smem:$0x3FFD];
	_ =	sdelay $0x3  }
0x96: {  	_ =	strace s3  }
0x97: {  	_ =	strace $0x8FFFFFFF  }
0x98: {  	s19 =	sld [smem:$0x3FDB];
	_ =	sdelay $0x1  }
0x99: {  	s4 =	simm.s32 $_scs_section_size  }
0x9a: {  	s5 =	simm.s32 $_size__tile_overlayer_lowered;
	s6 =	simm.s32 $_tile_overlayer_lowered  }
0x9b: {  	s22 =	simm.s32 $0x1BFF;
	s21 =	sshll.u32 s6, $0x1;
	s3 =	sadd.s32 s4, s19  }
0x9c: {  	s7 =	simm.s32 $0x0;
	s20 =	sshll.u32 s5, $0x1;
	s5 =	sadd.s32 s21, s3  }
0x9d: {  	[timem:s7], [sflag:s22] =	dma.local [hbm:s5], s20  }
0x9e: {  	_ =	swait.ge [sflag:s22], s20  }
0x9f: {  	s4 =	ssub.s32 $0x0, s20;
	[sflag:s22] =	ssyncset.done $0x0  }
0xa0: {  	[sflag:s22] =	ssyncadd.s32 s4;
	_ =	sdelay $0x1  }
0xa1: {  	s23 =	simm.s32 $0x1B8B  }
0xa2: {  	_ =	swait.ge [sflag:s23], $0x1  }
0xa3: {  	[sflag:s23] =	ssyncset.done $0x0  }
0xa4: {  	s25 =	simm.s32 $0x1B8E;
	s24 =	sld [smem:$0x3FFE];
	[sflag:s23] =	ssyncadd.s32 $0xFFFFFFFF  }
0xa5: {  	s26 =	simm.s32 $execute0_lowered;
	[smem:$0x3FD2] =	sst s25  }
0xa6: {  	s5 =	sshll.u32 s26, $0x1;
	_ =	strace $0x80000049;
	[dreg:$0x1] =	wrdreg $0xFFFFFFFF  }
0xa7: {  	s28 =	simm.s32 $_size_execute0_lowered;
	s3 =	sadd.s32 s3, s5;
	[dreg:$0x0] =	wrdreg $0x0  }
0xa8: {  	s5 =	sshll.u32 s28, $0x1;
	[dreg:$0x2] =	wrdreg s3  }
0xa9: {  	[dreg:$0x3] =	wrdreg s5  }
0xaa: {  	[dreg:$0x4] =	wrdreg $0xC0  }
0xab: {  	_ =	task [dreg:s7], $0x5FFFF  }
0xac: {  	[dreg:$0x1] =	wrdreg $0xFFFFFFFF  }
0xad: {  	[dreg:$0x0] =	wrdreg $0x60  }
0xae: {  	[dreg:$0x2] =	wrdreg s2  }
0xaf: {  	[dreg:$0x3] =	wrdreg s24  }
0xb0: {  	[dreg:$0x4] =	wrdreg $0x100000  }
0xb1: {  	[dreg:$0x5] =	wrdreg $0x9  }
0xb2: {  	_ =	task.clear_ibuf [dreg:s7], $0x6FFFF;
	_ =	strace $0x90000049  }
0xb3: {  	s29 =	simm.s32 $0x9;
	_ =	strace $0x8000004B  }
0xb4: {  	_ =	swait.ge [sflag:s29], $0x1  }
0xb5: {  	[sflag:s29] =	ssyncadd.s32 $0xFFFFFFFF  }
0xb6: {  	_ =	strace $0x9000004B  }
0xb7: {  	_ =	sfence  }
0xb8: {  	s30 =	sld [smem:$0x0];
	_ =	sdelay $0x2  }
0xb9: {  	s31 =	sshll.u32 s1, $0xD;
	s1 =	sshrl.u32 s1, $0x2  }
0xba: {  	s3 =	sand.u32 $0x4000, s31;
	s1 =	sadd.s32 s1, s30  }
0xbb: {  	s0 =	sor.u32 s3, s0;
	s1 =	sshll.u32 s1, $0x11  }
0xbc: {  	s0 =	sor.u32 s1, s0  }
0xbd: {  	s0 =	sadd.s32 $0x8F2B, s0  }
0xbe: {  	[sflag:s0] =	ssyncadd.remote.s32 $0x1  }
0xbf: {  	_ =	sfence.sel $0xFFFF  }
0xc0: {  	[dreg:$0x0] =	wrdreg $0xFFFFFFFF;
	(pc) =	sbr.abs _section_cstart, $3  }
0xc1: {  	[dreg:$0x1] =	wrdreg $0xFFFFFFFF  }
0xc2: {  	_ =	task.clear_ibuf [dreg:s7], $0x2FFFF;
	_ =	strace $0x9FFFFFFF  }
0xc3: {  	(tm) =	ssettm $0x7FFFFFFF  }
tec
execute0_lowered:
.L_overlay_start_1:
0x0: {  	(tag) =	ssettag $0x1  }
0x1: {  	s0 =	rddreg [dreg:$0x0]  }
0x2: {  	s4 =	rddreg [dreg:$0x1]  }
0x3: {  	s2 =	rddreg [dreg:$0x2]  }
0x4: {  	s1 =	stileid.u32;
	s5 =	srdreg.scid  }
0x5: {  	s3 =	simm.s32 $0x0;
	s15 =	simm.s32 $0xC000;
	s16 =	simm.s32 $0x80  }
0x6: {  	s17 =	simm.s32 $0xA000;
	s18 =	simm.s32 $0xB000;
	s19 =	simm.s32 $0x1  }
0x7: {  	s21 =	simm.s32 $0x2;
	s28 =	simm.s32 $0x4;
	s6 =	smul.u32 $0xA00, s1  }
0x8: {  	s30 =	simm.s32 $0x9F80;
	s31 =	simm.s32 $0x0;
	s8 =	smul.u32 $0x28000, s1  }
0x9: {  	s5 =	sand.u32 $0x1, s5;
	[smem:$0x7FF] =	sst s3;
	s13 =	smul.u32 $0xA000, s1  }
0xa: {  	s9 =	smul.u32 $0xA0000, s5;
	_ =	strace $0x8000004A;
	s5 =	ssub.s32 $0x2, s5  }
0xb: {  	s6 =	sadd.s32 s6, s4;
	s25 =	sshrl.u32 s5, $0x1;
	s26 =	sshrl.u32 s8, $0x2  }
0xc: {  	s20 =	sshrl.u32 s13, $0x3;
	s7 =	sshrl.u32 s9, $0x3;
	s14 =	ssub.s32 s5, s25  }
0xd: {  	s5 =	sadd.s32 $0x2000, s6;
	s10 =	sadd.s32 s26, s2;
	s11 =	sshrl.u32 s9, $0x4  }
0xe: {  	s25 =	simm.s32 $0xE000;
	s26 =	simm.s32 $0x3;
	s12 =	sadd.s32 s7, s4  }
0xf: {  	s4 =	sadd.s32 $0x5C200, s6;
	s6 =	sadd.s32 s13, s2;
	s7 =	sadd.s32 $0x2000, s10  }
0x10: {  	s8 =	sadd.s32 $0x4000, s10;
	s9 =	sadd.s32 $0x6000, s10;
	s10 =	sadd.s32 $0x8000, s10  }
0x11: {  	s11 =	sadd.s32 s0, s11;
	s13 =	simm.s32 $0x5;
	s29 =	sadd.s32 $0x66200, s12  }
0x12: {  	v0 =	vimm.f32 $0.0e+00;
	s12 =	smax.u32 s14, $0x1;
	s14 =	simm.s32 $0x5000;
	s24 =	sadd.s32 s20, s29  }
.LBB2_1:
0x13: {  	[tilespmem:s3], [sflag:$0x5] =	stream.linear.gather [hbm4b:s4+s3], $0x5000, $0x38;
	[tilespmem:$0x1A000] =	vst v63  }
0x14: {  	_ =	swait.ge [sflag:s13], $0x5000  }
0x15: {  	[sflag:s13] =	ssyncset.done $0x0  }
0x16: {  	[sflag:s13] =	ssyncadd.s32 $0xFFFFB000  }
0x17: {  	[tilespmem:s14], [sflag:$0x5] =	stream.linear.gather [hbm4b:s5+s3], $0x5000, $0x38;
	[tilespmem:$0x1A000] =	vst v63  }
0x18: {  	_ =	swait.ge [sflag:s13], $0x5000  }
0x19: {  	[sflag:s13] =	ssyncset.done $0x0  }
0x1a: {  	s20 =	simm.s32 $0x100;
	s0 =	simm.s32 $0x0;
	[sflag:s13] =	ssyncadd.s32 $0xFFFFB000  }
.LBB2_2:
0x1b: {  	p0 =	sne.s32 s20, $0x7F00;
	[tilespmem:s0+$0xC030] =	vst v0;
	s22 =	smov.u32 s20;
	s20 =	sadd.s32 $0x100, s20  }
.Ltmp0:
0x1c: {  	[tilespmem:s0+$0xC020] =	vst v0;
	(pc) =	sbr.rel @p0 .LBB2_2-.Ltmp0, $3  }
0x1d: {  	[tilespmem:s0+$0xC000] =	vst v0  }
0x1e: {  	[tilespmem:s0+$0xC010] =	vst v0;
	_ =	sdelay $0x1  }
0x1f: {  	s0 =	sshra.s32 s22, $0x2  }
0x20: {  	[tilespmem:s0+$0xC030] =	vst v0  }
0x21: {  	[tilespmem:s0+$0xC020] =	vst v0  }
0x22: {  	[tilespmem:s0+$0xC000] =	vst v0  }
0x23: {  	[tilespmem:s0+$0xC010] =	vst v0  }
0x24: {  	[spmem:s6] =	stream.linear.scatter [tilespmem:s15], [sflag:$0x5], $0x2000, $0x38;
	[tilespmem:$0x1A000] =	vst v63  }
0x25: {  	_ =	swait.ge [sflag:s13], $0x2000  }
0x26: {  	[sflag:s13] =	ssyncset.done $0x0  }
0x27: {  	[sflag:s13] =	ssyncadd.s32 $0xFFFFE000  }
0x28: {  	[spmem:s7] =	stream.linear.scatter [tilespmem:s15], [sflag:$0x5], $0x2000, $0x38;
	[tilespmem:$0x1A000] =	vst v63  }
0x29: {  	_ =	swait.ge [sflag:s13], $0x2000  }
0x2a: {  	[sflag:s13] =	ssyncset.done $0x0  }
0x2b: {  	[sflag:s13] =	ssyncadd.s32 $0xFFFFE000  }
0x2c: {  	[spmem:s8] =	stream.linear.scatter [tilespmem:s15], [sflag:$0x5], $0x2000, $0x38;
	[tilespmem:$0x1A000] =	vst v63  }
0x2d: {  	_ =	swait.ge [sflag:s13], $0x2000  }
0x2e: {  	[sflag:s13] =	ssyncset.done $0x0  }
0x2f: {  	[sflag:s13] =	ssyncadd.s32 $0xFFFFE000  }
0x30: {  	[spmem:s9] =	stream.linear.scatter [tilespmem:s15], [sflag:$0x5], $0x2000, $0x38;
	[tilespmem:$0x1A000] =	vst v63  }
0x31: {  	_ =	swait.ge [sflag:s13], $0x2000  }
0x32: {  	[sflag:s13] =	ssyncset.done $0x0  }
0x33: {  	[sflag:s13] =	ssyncadd.s32 $0xFFFFE000  }
0x34: {  	[spmem:s10] =	stream.linear.scatter [tilespmem:s15], [sflag:$0x5], $0x2000, $0x38;
	[tilespmem:$0x1A000] =	vst v63  }
0x35: {  	_ =	swait.ge [sflag:s13], $0x2000  }
0x36: {  	[sflag:s13] =	ssyncset.done $0x0  }
0x37: {  	[sflag:s13] =	ssyncadd.s32 $0xFFFFE000  }
0x38: {  	[bflag:$0x0] =	sbarrier.arrive $0xFFFF  }
0x39: {  	[tilespmem:s17], [sflag:$0x1] =	stream.indirect.gather [hbm4b:s11+s16], $0x20, s3, s16, $0xb8;
	[tilespmem:$0x1A000] =	vst v63  }
0x3a: {  	_ = 	snop  }
0x3b: {  	[tilespmem:s18], [sflag:$0x2] =	stream.indirect.gather [hbm4b:s11+s16], $0x20, s16, s16, $0xb8;
	[tilespmem:$0x1A000] =	vst v63  }
0x3c: {  	_ =	swait.ge [sflag:s19], $0x1000  }
0x3d: {  	[sflag:s19] =	ssyncset.done $0x0  }
0x3e: {  	s20 =	simm.s32 $0xA020;
	[sflag:s19] =	ssyncadd.s32 $0xFFFFF000  }
0x3f: {  	v1 =	vld [tilespmem:s20+$0xFFFFFFE0];
	_ =	sdelay $0x4  }
0x40: {  	s0 =	simm.s32 $0xC040;
	v2 =	vunpack.i.l.bf16.f32 v1  }
0x41: {  	v1 =	vunpack.i.u.bf16.f32 v1;
	[tilespmem:s0+$0xFFFFFFC0] =	vst v2  }
0x42: {  	[tilespmem:s0+$0xFFFFFFD0] =	vst v1  }
0x43: {  	v1 =	vld [tilespmem:s20+$0xFFFFFFF0];
	_ =	sdelay $0x4  }
0x44: {  	v2 =	vunpack.i.l.bf16.f32 v1  }
0x45: {  	v1 =	vunpack.i.u.bf16.f32 v1;
	[tilespmem:s0+$0xFFFFFFE0] =	vst v2  }
0x46: {  	[tilespmem:s0+$0xFFFFFFF0] =	vst v1  }
0x47: {  	v1 =	vld [tilespmem:s20+$0x0];
	_ =	sdelay $0x4  }
0x48: {  	v2 =	vunpack.i.u.bf16.f32 v1  }
0x49: {  	v1 =	vunpack.i.l.bf16.f32 v1;
	[tilespmem:s0+$0x10] =	vst v2  }
0x4a: {  	[tilespmem:s0+$0x0] =	vst v1  }
0x4b: {  	v1 =	vld [tilespmem:s20+$0x10];
	_ =	sdelay $0x4  }
0x4c: {  	v2 =	vunpack.i.l.bf16.f32 v1  }
0x4d: {  	v1 =	vunpack.i.u.bf16.f32 v1;
	[tilespmem:s0+$0x20] =	vst v2  }
0x4e: {  	s22 =	simm.s32 $0xA060;
	s20 =	simm.s32 $0x0;
	[tilespmem:s0+$0x30] =	vst v1  }
.LBB2_4:
0x4f: {  	v1 =	vld [tilespmem:s22+$0xFFFFFFE0];
	_ =	sdelay $0x1  }
0x50: {  	s20 =	sadd.s32 $0x2, s20  }
0x51: {  	p0 =	slt.u32 s20, $0x7E;
	_ =	sdelay $0x1  }
0x52: {  	s0 =	sadd.s32 $0x80, s0;
	v2 =	vunpack.i.l.bf16.f32 v1  }
0x53: {  	v1 =	vunpack.i.u.bf16.f32 v1;
	[tilespmem:s0+$0xFFFFFFC0] =	vst v2  }
0x54: {  	[tilespmem:s0+$0xFFFFFFD0] =	vst v1  }
0x55: {  	v1 =	vld [tilespmem:s22+$0xFFFFFFF0];
	_ =	sdelay $0x4  }
0x56: {  	v2 =	vunpack.i.l.bf16.f32 v1  }
0x57: {  	v1 =	vunpack.i.u.bf16.f32 v1;
	[tilespmem:s0+$0xFFFFFFE0] =	vst v2  }
0x58: {  	[tilespmem:s0+$0xFFFFFFF0] =	vst v1  }
0x59: {  	v1 =	vld [tilespmem:s22+$0x0];
	_ =	sdelay $0x4  }
0x5a: {  	v2 =	vunpack.i.u.bf16.f32 v1;
	v1 =	vunpack.i.l.bf16.f32 v1  }
0x5b: {  	[tilespmem:s0+$0x10] =	vst v2  }
0x5c: {  	[tilespmem:s0+$0x0] =	vst v1  }
0x5d: {  	v1 =	vld [tilespmem:s22+$0x10];
	_ =	sdelay $0x2  }
.Ltmp1:
0x5e: {  	(pc) =	sbr.rel @p0 .LBB2_4-.Ltmp1, $4  }
0x5f: {  	_ = 	snop  }
0x60: {  	v2 =	vunpack.i.u.bf16.f32 v1;
	v1 =	vunpack.i.l.bf16.f32 v1  }
0x61: {  	[tilespmem:s0+$0x20] =	vst v1  }
0x62: {  	s22 =	sadd.s32 $0x40, s22;
	[tilespmem:s0+$0x30] =	vst v2  }
0x63: {  	s0 =	simm.s32 $0x100  }
0x64: {  	[tilespmem:s17], [sflag:$0x1] =	stream.indirect.gather [hbm4b:s11+s16], $0x20, s0, s16, $0xb8;
	[tilespmem:$0x1A000] =	vst v63  }
0x65: {  	_ = 	snop  }
0x66: {  	[spmem:s2] =	stream.indirect.scatter.add.f32 [tilespmem:s15], [sflag:$0x3], $0x40, s14, s16, $0xb8;
	[tilespmem:$0x1A000] =	vst v63  }
0x67: {  	_ =	swait.ge [sflag:s21], $0x1000  }
0x68: {  	[sflag:s21] =	ssyncset.done $0x0  }
0x69: {  	s20 =	simm.s32 $0xB020;
	[sflag:s21] =	ssyncadd.s32 $0xFFFFF000  }
0x6a: {  	v1 =	vld [tilespmem:s20+$0xFFFFFFE0];
	_ =	sdelay $0x4  }
0x6b: {  	s0 =	simm.s32 $0xE040;
	v2 =	vunpack.i.l.bf16.f32 v1  }
0x6c: {  	v1 =	vunpack.i.u.bf16.f32 v1;
	[tilespmem:s0+$0xFFFFFFC0] =	vst v2  }
0x6d: {  	[tilespmem:s0+$0xFFFFFFD0] =	vst v1  }
0x6e: {  	v1 =	vld [tilespmem:s20+$0xFFFFFFF0];
	_ =	sdelay $0x4  }
0x6f: {  	v2 =	vunpack.i.l.bf16.f32 v1  }
0x70: {  	v1 =	vunpack.i.u.bf16.f32 v1;
	[tilespmem:s0+$0xFFFFFFE0] =	vst v2  }
0x71: {  	[tilespmem:s0+$0xFFFFFFF0] =	vst v1  }
0x72: {  	v1 =	vld [tilespmem:s20+$0x0];
	_ =	sdelay $0x4  }
0x73: {  	v2 =	vunpack.i.u.bf16.f32 v1  }
0x74: {  	v1 =	vunpack.i.l.bf16.f32 v1;
	[tilespmem:s0+$0x10] =	vst v2  }
0x75: {  	[tilespmem:s0+$0x0] =	vst v1  }
0x76: {  	v1 =	vld [tilespmem:s20+$0x10];
	_ =	sdelay $0x4  }
0x77: {  	v2 =	vunpack.i.l.bf16.f32 v1  }
0x78: {  	v1 =	vunpack.i.u.bf16.f32 v1;
	[tilespmem:s0+$0x20] =	vst v2  }
0x79: {  	s22 =	simm.s32 $0xB060;
	s20 =	simm.s32 $0x0;
	[tilespmem:s0+$0x30] =	vst v1  }
.LBB2_6:
0x7a: {  	v1 =	vld [tilespmem:s22+$0xFFFFFFE0];
	_ =	sdelay $0x1  }
0x7b: {  	s20 =	sadd.s32 $0x2, s20  }
0x7c: {  	p0 =	slt.u32 s20, $0x7E;
	_ =	sdelay $0x1  }
0x7d: {  	s0 =	sadd.s32 $0x80, s0;
	v2 =	vunpack.i.l.bf16.f32 v1  }
0x7e: {  	v1 =	vunpack.i.u.bf16.f32 v1;
	[tilespmem:s0+$0xFFFFFFC0] =	vst v2  }
0x7f: {  	[tilespmem:s0+$0xFFFFFFD0] =	vst v1  }
0x80: {  	v1 =	vld [tilespmem:s22+$0xFFFFFFF0];
	_ =	sdelay $0x4  }
0x81: {  	v2 =	vunpack.i.l.bf16.f32 v1  }
0x82: {  	v1 =	vunpack.i.u.bf16.f32 v1;
	[tilespmem:s0+$0xFFFFFFE0] =	vst v2  }
0x83: {  	[tilespmem:s0+$0xFFFFFFF0] =	vst v1  }
0x84: {  	v1 =	vld [tilespmem:s22+$0x0];
	_ =	sdelay $0x4  }
0x85: {  	v2 =	vunpack.i.u.bf16.f32 v1;
	v1 =	vunpack.i.l.bf16.f32 v1  }
0x86: {  	[tilespmem:s0+$0x10] =	vst v2  }
0x87: {  	[tilespmem:s0+$0x0] =	vst v1  }
0x88: {  	v1 =	vld [tilespmem:s22+$0x10];
	_ =	sdelay $0x2  }
.Ltmp2:
0x89: {  	(pc) =	sbr.rel @p0 .LBB2_6-.Ltmp2, $4  }
0x8a: {  	_ = 	snop  }
0x8b: {  	v2 =	vunpack.i.u.bf16.f32 v1;
	v1 =	vunpack.i.l.bf16.f32 v1  }
0x8c: {  	[tilespmem:s0+$0x20] =	vst v1  }
0x8d: {  	s22 =	sadd.s32 $0x40, s22;
	[tilespmem:s0+$0x30] =	vst v2  }
0x8e: {  	s0 =	simm.s32 $0x180  }
0x8f: {  	[tilespmem:s18], [sflag:$0x2] =	stream.indirect.gather [hbm4b:s11+s16], $0x20, s0, s16, $0xb8;
	[tilespmem:$0x1A000] =	vst v63  }
0x90: {  	s29 =	simm.s32 $0x5080;
	s0 =	simm.s32 $0x1  }
0x91: {  	[spmem:s2] =	stream.indirect.scatter.add.f32 [tilespmem:s25], [sflag:$0x4], $0x40, s29, s16, $0xb8;
	[tilespmem:$0x1A000] =	vst v63  }
.LBB2_8:
0x92: {  	_ =	swait.ge [sflag:s19], $0x1000  }
0x93: {  	[sflag:s19] =	ssyncset.done $0x0  }
0x94: {  	[sflag:s19] =	ssyncadd.s32 $0xFFFFF000  }
0x95: {  	_ =	swait.ge [sflag:s26], $0x2000  }
0x96: {  	[sflag:s26] =	ssyncset.done $0x0  }
0x97: {  	s22 =	simm.s32 $0xA020;
	[sflag:s26] =	ssyncadd.s32 $0xFFFFE000  }
0x98: {  	v1 =	vld [tilespmem:s22+$0xFFFFFFE0];
	_ =	sdelay $0x4  }
0x99: {  	s20 =	simm.s32 $0xC040;
	v2 =	vunpack.i.l.bf16.f32 v1  }
0x9a: {  	v1 =	vunpack.i.u.bf16.f32 v1;
	[tilespmem:s20+$0xFFFFFFC0] =	vst v2  }
0x9b: {  	[tilespmem:s20+$0xFFFFFFD0] =	vst v1  }
0x9c: {  	v1 =	vld [tilespmem:s22+$0xFFFFFFF0];
	_ =	sdelay $0x4  }
0x9d: {  	v2 =	vunpack.i.l.bf16.f32 v1  }
0x9e: {  	v1 =	vunpack.i.u.bf16.f32 v1;
	[tilespmem:s20+$0xFFFFFFE0] =	vst v2  }
0x9f: {  	[tilespmem:s20+$0xFFFFFFF0] =	vst v1  }
0xa0: {  	v1 =	vld [tilespmem:s22+$0x0];
	_ =	sdelay $0x4  }
0xa1: {  	v2 =	vunpack.i.u.bf16.f32 v1  }
0xa2: {  	v1 =	vunpack.i.l.bf16.f32 v1;
	[tilespmem:s20+$0x10] =	vst v2  }
0xa3: {  	[tilespmem:s20+$0x0] =	vst v1  }
0xa4: {  	v1 =	vld [tilespmem:s22+$0x10];
	_ =	sdelay $0x4  }
0xa5: {  	v2 =	vunpack.i.l.bf16.f32 v1  }
0xa6: {  	v1 =	vunpack.i.u.bf16.f32 v1;
	[tilespmem:s20+$0x20] =	vst v2  }
0xa7: {  	s23 =	simm.s32 $0xA060;
	s22 =	simm.s32 $0x0;
	[tilespmem:s20+$0x30] =	vst v1  }
.LBB2_9:
0xa8: {  	v1 =	vld [tilespmem:s23+$0xFFFFFFE0];
	_ =	sdelay $0x1  }
0xa9: {  	s22 =	sadd.s32 $0x2, s22  }
0xaa: {  	p0 =	slt.u32 s22, $0x7E;
	_ =	sdelay $0x1  }
0xab: {  	s20 =	sadd.s32 $0x80, s20;
	v2 =	vunpack.i.l.bf16.f32 v1  }
0xac: {  	v1 =	vunpack.i.u.bf16.f32 v1;
	[tilespmem:s20+$0xFFFFFFC0] =	vst v2  }
0xad: {  	[tilespmem:s20+$0xFFFFFFD0] =	vst v1  }
0xae: {  	v1 =	vld [tilespmem:s23+$0xFFFFFFF0];
	_ =	sdelay $0x4  }
0xaf: {  	v2 =	vunpack.i.l.bf16.f32 v1  }
0xb0: {  	v1 =	vunpack.i.u.bf16.f32 v1;
	[tilespmem:s20+$0xFFFFFFE0] =	vst v2  }
0xb1: {  	[tilespmem:s20+$0xFFFFFFF0] =	vst v1  }
0xb2: {  	v1 =	vld [tilespmem:s23+$0x0];
	_ =	sdelay $0x4  }
0xb3: {  	v2 =	vunpack.i.u.bf16.f32 v1;
	v1 =	vunpack.i.l.bf16.f32 v1  }
0xb4: {  	[tilespmem:s20+$0x10] =	vst v2  }
0xb5: {  	[tilespmem:s20+$0x0] =	vst v1  }
0xb6: {  	v1 =	vld [tilespmem:s23+$0x10];
	_ =	sdelay $0x2  }
.Ltmp3:
0xb7: {  	(pc) =	sbr.rel @p0 .LBB2_9-.Ltmp3, $4  }
0xb8: {  	_ = 	snop  }
0xb9: {  	v2 =	vunpack.i.u.bf16.f32 v1;
	v1 =	vunpack.i.l.bf16.f32 v1  }
0xba: {  	[tilespmem:s20+$0x20] =	vst v1  }
0xbb: {  	s23 =	sadd.s32 $0x40, s23;
	[tilespmem:s20+$0x30] =	vst v2  }
0xbc: {  	s20 =	sshll.u32 s0, $0x8  }
0xbd: {  	s20 =	sand.u32 $0x3FFFFF00, s20  }
0xbe: {  	s22 =	sadd.s32 $0x100, s20  }
0xbf: {  	[tilespmem:s17], [sflag:$0x1] =	stream.indirect.gather [hbm4b:s11+s16], $0x20, s22, s16, $0xb8;
	[tilespmem:$0x1A000] =	vst v63  }
0xc0: {  	s23 =	sadd.s32 $0x5000, s20  }
0xc1: {  	[spmem:s2] =	stream.indirect.scatter.add.f32 [tilespmem:s15], [sflag:$0x3], $0x40, s23, s16, $0xb8;
	[tilespmem:$0x1A000] =	vst v63  }
0xc2: {  	_ =	swait.ge [sflag:s21], $0x1000  }
0xc3: {  	[sflag:s21] =	ssyncset.done $0x0  }
0xc4: {  	[sflag:s21] =	ssyncadd.s32 $0xFFFFF000  }
0xc5: {  	_ =	swait.ge [sflag:s28], $0x2000  }
0xc6: {  	[sflag:s28] =	ssyncset.done $0x0  }
0xc7: {  	s23 =	simm.s32 $0xB020;
	[sflag:s28] =	ssyncadd.s32 $0xFFFFE000  }
0xc8: {  	v1 =	vld [tilespmem:s23+$0xFFFFFFE0];
	_ =	sdelay $0x4  }
0xc9: {  	s22 =	simm.s32 $0xE040;
	v2 =	vunpack.i.l.bf16.f32 v1  }
0xca: {  	v1 =	vunpack.i.u.bf16.f32 v1;
	[tilespmem:s22+$0xFFFFFFC0] =	vst v2  }
0xcb: {  	[tilespmem:s22+$0xFFFFFFD0] =	vst v1  }
0xcc: {  	v1 =	vld [tilespmem:s23+$0xFFFFFFF0];
	_ =	sdelay $0x4  }
0xcd: {  	v2 =	vunpack.i.l.bf16.f32 v1  }
0xce: {  	v1 =	vunpack.i.u.bf16.f32 v1;
	[tilespmem:s22+$0xFFFFFFE0] =	vst v2  }
0xcf: {  	[tilespmem:s22+$0xFFFFFFF0] =	vst v1  }
0xd0: {  	v1 =	vld [tilespmem:s23+$0x0];
	_ =	sdelay $0x4  }
0xd1: {  	v2 =	vunpack.i.u.bf16.f32 v1  }
0xd2: {  	v1 =	vunpack.i.l.bf16.f32 v1;
	[tilespmem:s22+$0x10] =	vst v2  }
0xd3: {  	[tilespmem:s22+$0x0] =	vst v1  }
0xd4: {  	v1 =	vld [tilespmem:s23+$0x10];
	_ =	sdelay $0x4  }
0xd5: {  	v2 =	vunpack.i.l.bf16.f32 v1  }
0xd6: {  	v1 =	vunpack.i.u.bf16.f32 v1;
	[tilespmem:s22+$0x20] =	vst v2  }
0xd7: {  	s29 =	simm.s32 $0xB060;
	s23 =	simm.s32 $0x0;
	[tilespmem:s22+$0x30] =	vst v1  }
.LBB2_11:
0xd8: {  	v1 =	vld [tilespmem:s29+$0xFFFFFFE0];
	_ =	sdelay $0x1  }
0xd9: {  	s23 =	sadd.s32 $0x2, s23  }
0xda: {  	p0 =	slt.u32 s23, $0x7E;
	_ =	sdelay $0x1  }
0xdb: {  	s22 =	sadd.s32 $0x80, s22;
	v2 =	vunpack.i.l.bf16.f32 v1  }
0xdc: {  	v1 =	vunpack.i.u.bf16.f32 v1;
	[tilespmem:s22+$0xFFFFFFC0] =	vst v2  }
0xdd: {  	[tilespmem:s22+$0xFFFFFFD0] =	vst v1  }
0xde: {  	v1 =	vld [tilespmem:s29+$0xFFFFFFF0];
	_ =	sdelay $0x4  }
0xdf: {  	v2 =	vunpack.i.l.bf16.f32 v1  }
0xe0: {  	v1 =	vunpack.i.u.bf16.f32 v1;
	[tilespmem:s22+$0xFFFFFFE0] =	vst v2  }
0xe1: {  	[tilespmem:s22+$0xFFFFFFF0] =	vst v1  }
0xe2: {  	v1 =	vld [tilespmem:s29+$0x0];
	_ =	sdelay $0x4  }
0xe3: {  	v2 =	vunpack.i.u.bf16.f32 v1;
	v1 =	vunpack.i.l.bf16.f32 v1  }
0xe4: {  	[tilespmem:s22+$0x10] =	vst v2  }
0xe5: {  	[tilespmem:s22+$0x0] =	vst v1  }
0xe6: {  	v1 =	vld [tilespmem:s29+$0x10];
	_ =	sdelay $0x2  }
.Ltmp4:
0xe7: {  	(pc) =	sbr.rel @p0 .LBB2_11-.Ltmp4, $4  }
0xe8: {  	_ = 	snop  }
0xe9: {  	v2 =	vunpack.i.u.bf16.f32 v1;
	v1 =	vunpack.i.l.bf16.f32 v1  }
0xea: {  	[tilespmem:s22+$0x20] =	vst v1  }
0xeb: {  	s29 =	sadd.s32 $0x40, s29;
	[tilespmem:s22+$0x30] =	vst v2  }
0xec: {  	s0 =	sadd.s32 $0x1, s0  }
0xed: {  	p0 =	sne.s32 s0, $0x4F  }
.Ltmp5:
0xee: {  	_ = 	snop;
	(pc) =	sbr.rel @p0 .LBB2_8-.Ltmp5, $4  }
0xef: {  	s22 =	sadd.s32 $0x180, s20  }
0xf0: {  	[tilespmem:s18], [sflag:$0x2] =	stream.indirect.gather [hbm4b:s11+s16], $0x20, s22, s16, $0xb8;
	[tilespmem:$0x1A000] =	vst v63  }
0xf1: {  	s29 =	sadd.s32 $0x5080, s20  }
0xf2: {  	[spmem:s2] =	stream.indirect.scatter.add.f32 [tilespmem:s25], [sflag:$0x4], $0x40, s29, s16, $0xb8;
	[tilespmem:$0x1A000] =	vst v63  }
0xf3: {  	_ =	swait.ge [sflag:s19], $0x1000  }
0xf4: {  	[sflag:s19] =	ssyncset.done $0x0  }
0xf5: {  	[sflag:s19] =	ssyncadd.s32 $0xFFFFF000  }
0xf6: {  	_ =	swait.ge [sflag:s26], $0x2000  }
0xf7: {  	[sflag:s26] =	ssyncset.done $0x0  }
0xf8: {  	s20 =	simm.s32 $0xA020;
	[sflag:s26] =	ssyncadd.s32 $0xFFFFE000  }
0xf9: {  	v1 =	vld [tilespmem:s20+$0xFFFFFFE0];
	_ =	sdelay $0x4  }
0xfa: {  	s0 =	simm.s32 $0xC040;
	v2 =	vunpack.i.l.bf16.f32 v1  }
0xfb: {  	v1 =	vunpack.i.u.bf16.f32 v1;
	[tilespmem:s0+$0xFFFFFFC0] =	vst v2  }
0xfc: {  	[tilespmem:s0+$0xFFFFFFD0] =	vst v1  }
0xfd: {  	v1 =	vld [tilespmem:s20+$0xFFFFFFF0];
	_ =	sdelay $0x4  }
0xfe: {  	v2 =	vunpack.i.l.bf16.f32 v1  }
0xff: {  	v1 =	vunpack.i.u.bf16.f32 v1;
	[tilespmem:s0+$0xFFFFFFE0] =	vst v2  }
0x100: {  	[tilespmem:s0+$0xFFFFFFF0] =	vst v1  }
0x101: {  	v1 =	vld [tilespmem:s20+$0x0];
	_ =	sdelay $0x4  }
0x102: {  	v2 =	vunpack.i.u.bf16.f32 v1  }
0x103: {  	v1 =	vunpack.i.l.bf16.f32 v1;
	[tilespmem:s0+$0x10] =	vst v2  }
0x104: {  	[tilespmem:s0+$0x0] =	vst v1  }
0x105: {  	v1 =	vld [tilespmem:s20+$0x10];
	_ =	sdelay $0x4  }
0x106: {  	v2 =	vunpack.i.l.bf16.f32 v1  }
0x107: {  	v1 =	vunpack.i.u.bf16.f32 v1;
	[tilespmem:s0+$0x20] =	vst v2  }
0x108: {  	s22 =	simm.s32 $0xA060;
	s20 =	simm.s32 $0x0;
	[tilespmem:s0+$0x30] =	vst v1  }
.LBB2_14:
0x109: {  	v1 =	vld [tilespmem:s22+$0xFFFFFFE0];
	_ =	sdelay $0x1  }
0x10a: {  	s20 =	sadd.s32 $0x2, s20  }
0x10b: {  	p0 =	slt.u32 s20, $0x7E;
	_ =	sdelay $0x1  }
0x10c: {  	s0 =	sadd.s32 $0x80, s0;
	v2 =	vunpack.i.l.bf16.f32 v1  }
0x10d: {  	v1 =	vunpack.i.u.bf16.f32 v1;
	[tilespmem:s0+$0xFFFFFFC0] =	vst v2  }
0x10e: {  	[tilespmem:s0+$0xFFFFFFD0] =	vst v1  }
0x10f: {  	v1 =	vld [tilespmem:s22+$0xFFFFFFF0];
	_ =	sdelay $0x4  }
0x110: {  	v2 =	vunpack.i.l.bf16.f32 v1  }
0x111: {  	v1 =	vunpack.i.u.bf16.f32 v1;
	[tilespmem:s0+$0xFFFFFFE0] =	vst v2  }
0x112: {  	[tilespmem:s0+$0xFFFFFFF0] =	vst v1  }
0x113: {  	v1 =	vld [tilespmem:s22+$0x0];
	_ =	sdelay $0x4  }
0x114: {  	v2 =	vunpack.i.u.bf16.f32 v1;
	v1 =	vunpack.i.l.bf16.f32 v1  }
0x115: {  	[tilespmem:s0+$0x10] =	vst v2  }
0x116: {  	[tilespmem:s0+$0x0] =	vst v1  }
0x117: {  	v1 =	vld [tilespmem:s22+$0x10];
	_ =	sdelay $0x2  }
.Ltmp6:
0x118: {  	(pc) =	sbr.rel @p0 .LBB2_14-.Ltmp6, $4  }
0x119: {  	_ = 	snop  }
0x11a: {  	v2 =	vunpack.i.u.bf16.f32 v1;
	v1 =	vunpack.i.l.bf16.f32 v1  }
0x11b: {  	[tilespmem:s0+$0x20] =	vst v1  }
0x11c: {  	s22 =	sadd.s32 $0x40, s22;
	[tilespmem:s0+$0x30] =	vst v2  }
0x11d: {  	s0 =	simm.s32 $0x9F00  }
0x11e: {  	[spmem:s2] =	stream.indirect.scatter.add.f32 [tilespmem:s15], [sflag:$0x3], $0x40, s0, s16, $0xb8;
	[tilespmem:$0x1A000] =	vst v63  }
0x11f: {  	_ =	swait.ge [sflag:s21], $0x1000  }
0x120: {  	[sflag:s21] =	ssyncset.done $0x0  }
0x121: {  	[sflag:s21] =	ssyncadd.s32 $0xFFFFF000  }
0x122: {  	_ =	swait.ge [sflag:s28], $0x2000  }
0x123: {  	[sflag:s28] =	ssyncset.done $0x0  }
0x124: {  	s20 =	simm.s32 $0xB020;
	[sflag:s28] =	ssyncadd.s32 $0xFFFFE000  }
0x125: {  	v1 =	vld [tilespmem:s20+$0xFFFFFFE0];
	_ =	sdelay $0x4  }
0x126: {  	s0 =	simm.s32 $0xE040;
	v2 =	vunpack.i.l.bf16.f32 v1  }
0x127: {  	v1 =	vunpack.i.u.bf16.f32 v1;
	[tilespmem:s0+$0xFFFFFFC0] =	vst v2  }
0x128: {  	[tilespmem:s0+$0xFFFFFFD0] =	vst v1  }
0x129: {  	v1 =	vld [tilespmem:s20+$0xFFFFFFF0];
	_ =	sdelay $0x4  }
0x12a: {  	v2 =	vunpack.i.l.bf16.f32 v1  }
0x12b: {  	v1 =	vunpack.i.u.bf16.f32 v1;
	[tilespmem:s0+$0xFFFFFFE0] =	vst v2  }
0x12c: {  	[tilespmem:s0+$0xFFFFFFF0] =	vst v1  }
0x12d: {  	v1 =	vld [tilespmem:s20+$0x0];
	_ =	sdelay $0x4  }
0x12e: {  	v2 =	vunpack.i.u.bf16.f32 v1  }
0x12f: {  	v1 =	vunpack.i.l.bf16.f32 v1;
	[tilespmem:s0+$0x10] =	vst v2  }
0x130: {  	[tilespmem:s0+$0x0] =	vst v1  }
0x131: {  	v1 =	vld [tilespmem:s20+$0x10];
	_ =	sdelay $0x4  }
0x132: {  	v2 =	vunpack.i.l.bf16.f32 v1  }
0x133: {  	v1 =	vunpack.i.u.bf16.f32 v1;
	[tilespmem:s0+$0x20] =	vst v2  }
0x134: {  	s22 =	simm.s32 $0xB060;
	s20 =	simm.s32 $0x0;
	[tilespmem:s0+$0x30] =	vst v1  }
.LBB2_16:
0x135: {  	v1 =	vld [tilespmem:s22+$0xFFFFFFE0];
	_ =	sdelay $0x1  }
0x136: {  	s20 =	sadd.s32 $0x2, s20  }
0x137: {  	p0 =	slt.u32 s20, $0x7E;
	_ =	sdelay $0x1  }
0x138: {  	s0 =	sadd.s32 $0x80, s0;
	v2 =	vunpack.i.l.bf16.f32 v1  }
0x139: {  	v1 =	vunpack.i.u.bf16.f32 v1;
	[tilespmem:s0+$0xFFFFFFC0] =	vst v2  }
0x13a: {  	[tilespmem:s0+$0xFFFFFFD0] =	vst v1  }
0x13b: {  	v1 =	vld [tilespmem:s22+$0xFFFFFFF0];
	_ =	sdelay $0x4  }
0x13c: {  	v2 =	vunpack.i.l.bf16.f32 v1  }
0x13d: {  	v1 =	vunpack.i.u.bf16.f32 v1;
	[tilespmem:s0+$0xFFFFFFE0] =	vst v2  }
0x13e: {  	[tilespmem:s0+$0xFFFFFFF0] =	vst v1  }
0x13f: {  	v1 =	vld [tilespmem:s22+$0x0];
	_ =	sdelay $0x4  }
0x140: {  	v2 =	vunpack.i.u.bf16.f32 v1;
	v1 =	vunpack.i.l.bf16.f32 v1  }
0x141: {  	[tilespmem:s0+$0x10] =	vst v2  }
0x142: {  	[tilespmem:s0+$0x0] =	vst v1  }
0x143: {  	v1 =	vld [tilespmem:s22+$0x10];
	_ =	sdelay $0x2  }
.Ltmp7:
0x144: {  	(pc) =	sbr.rel @p0 .LBB2_16-.Ltmp7, $4  }
0x145: {  	_ = 	snop  }
0x146: {  	v2 =	vunpack.i.u.bf16.f32 v1;
	v1 =	vunpack.i.l.bf16.f32 v1  }
0x147: {  	[tilespmem:s0+$0x20] =	vst v1  }
0x148: {  	s22 =	sadd.s32 $0x40, s22;
	[tilespmem:s0+$0x30] =	vst v2  }
0x149: {  	[spmem:s2] =	stream.indirect.scatter.add.f32 [tilespmem:s25], [sflag:$0x4], $0x40, s30, s16, $0xb8;
	[tilespmem:$0x1A000] =	vst v63  }
0x14a: {  	_ =	swait.ge [sflag:s26], $0x2000  }
0x14b: {  	[sflag:s26] =	ssyncset.done $0x0  }
0x14c: {  	[sflag:s26] =	ssyncadd.s32 $0xFFFFE000  }
0x14d: {  	_ =	swait.ge [sflag:s28], $0x2000  }
0x14e: {  	s0 =	sshll.u32 s1, $0x6;
	s31 =	sadd.s32 $0x1, s31;
	[sflag:s28] =	ssyncset.done $0x0  }
0x14f: {  	s20 =	sshrl.u32 s6, $0x3;
	p0 =	sne.s32 s31, s12;
	[sflag:s28] =	ssyncadd.s32 $0xFFFFE000  }
.Ltmp8:
0x150: {  	s0 =	sor.u32 $0x1C05, s0;
	[bflag:$0x0] =	sbarrier.arrive $0xFFFF;
	(pc) =	sbr.rel @p0 .LBB2_1-.Ltmp8, $4  }
0x151: {  	[hbm:s24], [sflag:s0] =	dma.local [spmem:s20], $0x1400  }
0x152: {  	_ =	swait.ge [sflag:s13], $0x1400  }
0x153: {  	[sflag:s13] =	ssyncset.done $0x0  }
0x154: {  	[sflag:s13] =	ssyncadd.s32 $0xFFFFEC00  }
0x155: {  	_ =	sfence.sel $0x180000  }
0x156: {  	[bflag:$0x0] =	sbarrier.arrive $0xFFFF  }
0x157: {  	_ =	strace $0x9000004A  }
0x158: {  	[bflag:$0x2] =	sbarrier.arrive $0xFFFF  }
0x159: {  	p0 =	sne.s32 s1, $0x0;
	s0 =	rddreg [dreg:$0x3]  }
0x15a: {  	s0 =	sadd.s32 @!p0 $0x100000, s0  }
0x15b: {  	[sflag:s0] =	ssyncadd.tile.s32 @!p0 $0x1;
	_ =	shalt  }
.Lfunc_end2:
_tile_overlayer_lowered:
.L_overlay_start_2:
0x15c: {  	(tag) =	ssettag $0x2  }
0x15d: {  	s0 =	rddreg [dreg:$0x0];
	s2 =	stileid.u32  }
0x15e: {  	s1 =	rddreg [dreg:$0x1];
	p0 =	sne.s32 s2, $0x0  }
0x15f: {  	s3 =	rddreg [dreg:$0x2];
	[bflag:$0x3] =	sbarrier.arrive $0xFFFF;
	s2 =	simm.s32 @!p0 $0x1C05  }
0x160: {  	[timem:s3], [sflag:s2] =	dma.local @!p0 [hbm:s0], s1  }
0x161: {  	s0 =	simm.s32 @!p0 $0x5  }
0x162: {  	_ =	swait.ge @!p0 [sflag:s0], s1  }
0x163: {  	s1 =	ssub.s32 @!p0 $0x0, s1;
	[sflag:s0] =	ssyncset.done @!p0 $0x0  }
0x164: {  	[sflag:s0] =	ssyncadd.s32 @!p0 s1  }
0x165: {  	[bflag:$0x3] =	sbarrier.arrive $0xFFFF  }
0x166: {  	_ =	shalt  }

// kernel: kernel.4.cloned.1.call-start
scs
__scs_entry_jumppad:
0x0: {  	(pc) =	sbr.rel $0x88, $3  }
0x1: {  	(tag) =	ssettag $0x0;
	lr =	simm.s32 $0x1  }
0x2: {  	[smem:$0x3F9B] =	sst lr;
	_ =	strace $0xD0000000  }
0x3: {  	_ = 	snop  }
0x4: {  	_ = 	snop  }
0x5: {  	_ = 	snop  }
0x6: {  	_ = 	snop  }
0x7: {  	_ = 	snop  }
__scs_overlays_trampoline_lowered:
0x8: {  	[smem:$0x3FAA] =	sst s0  }
0x9: {  	[smem:$0x3FAB] =	sst s1  }
0xa: {  	[smem:$0x3FAC] =	sst s2  }
0xb: {  	[smem:$0x3FAD] =	sst s3  }
0xc: {  	[smem:$0x3FAE] =	sst s4  }
0xd: {  	[smem:$0x3FAF] =	sst s5  }
0xe: {  	[smem:$0x3FB0] =	sst s6  }
0xf: {  	[smem:$0x3FB1] =	sst s7  }
0x10: {  	[smem:$0x3FB2] =	sst s8  }
0x11: {  	[smem:$0x3FB3] =	sst s9;
	s0 =	simm.s32 @!p0 $0x0  }
0x12: {  	s1 =	sld [smem:$0x3F99];
	s0 =	simm.s32 @p0 $0x1  }
0x13: {  	[smem:$0x3FB4] =	sst s0;
	s0 =	simm.s32 @!p1 $0x0  }
0x14: {  	s2 =	sld [smem:$0x3F98];
	s0 =	simm.s32 @p1 $0x1  }
0x15: {  	[smem:$0x3FB5] =	sst s0;
	s0 =	simm.s32 @!p2 $0x0  }
0x16: {  	s3 =	sld [smem:$0x3FDB];
	s0 =	simm.s32 @p2 $0x1  }
0x17: {  	s4 =	simm.s32 $0x1BF5;
	[smem:$0x3FB7] =	sst s0  }
0x18: {  	s0 =	sld [smem:$0x3F9A];
	_ =	swait.ge [sflag:s4], $0x0  }
0x19: {  	s7 =	sld [smem:$0x3F9B]  }
0x1a: {  	s8 =	sadd.s32 $0xFFFFE003, lr  }
0x1b: {  	s9 =	sadd.s32 $0xFFFFFEF7, lr;
	s5 =	simm.s32 $0xFFFFFFFF;
	p2 =	slt.u32 s8, $0xFFFFF086  }
0x1c: {  	p1 =	slt.u32 s9, $0xF7A;
	s5 =	simm.s32 @!p2 $0x0  }
0x1d: {  	s5 =	simm.s32 @p1 $0x1;
	p0 =	seq.s32 s7, s2  }
0x1e: {  	s7 =	smul.u32 @!p0 $0xF7A, s2;
	p2 =	seq.s32 @!p0 s5, $0x0  }
0x1f: {  	s9 =	smul.u32 $0xF7A, s1;
	s8 =	simm.s32 @!p0 $0x1BF5;
	p2 =	por !p2, p0  }
0x20: {  	[sflag:s8] =	ssyncset.s32 @!p0 $0xFFFFF086;
	s6 =	sadd.s32 @!p0 s3, s7;
	s7 =	simm.s32 @!p0 $0x108  }
0x21: {  	s3 =	sadd.s32 s3, s9;
	s6 =	sadd.s32 @!p0 $0x88, s6;
	s7 =	simm.s32 @p2 $0x1082  }
0x22: {  	[simem:s7], [sflag:s8] =	dma.local @!p0 [hbm:s6], $0xF7A  }
0x23: {  	s9 =	sor.u32 $0xD0000000, s2;
	s6 =	simm.s32 $0x108;
	_ =	swait.ge @!p0 [sflag:s8], $0x0  }
0x24: {  	s3 =	sadd.s32 $0x88, s3;
	s6 =	simm.s32 @!p1 $0x1082;
	[sflag:s4] =	ssyncset.s32 $0xFFFFF086  }
0x25: {  	[simem:s6], [sflag:s4] =	dma.local [hbm:s3], $0xF7A  }
0x26: {  	[smem:$0x3F9B] =	sst s1;
	(tag) =	ssettag s2;
	_ =	strace s9  }
0x27: {  	s1 =	sld [smem:$0x3FAB]  }
0x28: {  	s2 =	sld [smem:$0x3FAC]  }
0x29: {  	s4 =	sld [smem:$0x3FAE]  }
0x2a: {  	p0 =	seq.s32 s5, $0x0;
	s5 =	sld [smem:$0x3FAF]  }
0x2b: {  	s6 =	sld [smem:$0x3FB0]  }
0x2c: {  	s7 =	sld [smem:$0x3FB1]  }
0x2d: {  	s3 =	simm.s32 $0x108;
	s8 =	sld [smem:$0x3FB2]  }
0x2e: {  	s3 =	simm.s32 @!p0 $0x1082;
	s9 =	sld [smem:$0x3FB3]  }
0x2f: {  	lr =	sadd.s32 s0, s3;
	s0 =	sld [smem:$0x3FAA]  }
0x30: {  	s3 =	sld [smem:$0x3FAD]  }
0x31: {  	[smem:$0x3FB6] =	sst s10  }
0x32: {  	s10 =	sld [smem:$0x3FB4];
	_ =	sdelay $0x3  }
0x33: {  	p0 =	seq.s32 s10, $0x1;
	s10 =	sld [smem:$0x3FB6];
	_ =	sdelay $0x3  }
0x34: {  	[smem:$0x3FB6] =	sst s10  }
0x35: {  	s10 =	sld [smem:$0x3FB5];
	_ =	sdelay $0x3  }
0x36: {  	p1 =	seq.s32 s10, $0x1;
	s10 =	sld [smem:$0x3FB6];
	_ =	sdelay $0x3  }
0x37: {  	[smem:$0x3FB6] =	sst s10  }
0x38: {  	s10 =	sld [smem:$0x3FB7]  }
0x39: {  	_ = 	snop;
	(pc) =	sbr.ind lr, $3  }
0x3a: {  	_ = 	snop  }
0x3b: {  	_ = 	snop  }
0x3c: {  	p2 =	seq.s32 s10, $0x1;
	s10 =	sld [smem:$0x3FB6]  }
0x3d: {  	_ =	shalt  }
0x3e: {  	_ =	shalt  }
0x3f: {  	_ =	shalt  }
0x40: {  	_ =	shalt  }
0x41: {  	_ =	shalt  }
0x42: {  	_ =	shalt  }
0x43: {  	_ =	shalt  }
0x44: {  	_ =	shalt  }
0x45: {  	_ =	shalt  }
0x46: {  	_ =	shalt  }
0x47: {  	_ =	shalt  }
0x48: {  	_ =	shalt  }
0x49: {  	_ =	shalt  }
0x4a: {  	_ =	shalt  }
0x4b: {  	_ =	shalt  }
0x4c: {  	_ =	shalt  }
0x4d: {  	_ =	shalt  }
0x4e: {  	_ =	shalt  }
0x4f: {  	_ =	shalt  }
0x50: {  	_ =	shalt  }
0x51: {  	_ =	shalt  }
0x52: {  	_ =	shalt  }
0x53: {  	_ =	shalt  }
0x54: {  	_ =	shalt  }
0x55: {  	_ =	shalt  }
0x56: {  	_ =	shalt  }
0x57: {  	_ =	shalt  }
0x58: {  	_ =	shalt  }
0x59: {  	_ =	shalt  }
0x5a: {  	_ =	shalt  }
0x5b: {  	_ =	shalt  }
0x5c: {  	_ =	shalt  }
0x5d: {  	_ =	shalt  }
0x5e: {  	_ =	shalt  }
0x5f: {  	_ =	shalt  }
0x60: {  	_ =	shalt  }
0x61: {  	_ =	shalt  }
0x62: {  	_ =	shalt  }
0x63: {  	_ =	shalt  }
0x64: {  	_ =	shalt  }
0x65: {  	_ =	shalt  }
0x66: {  	_ =	shalt  }
0x67: {  	_ =	shalt  }
0x68: {  	_ =	shalt  }
0x69: {  	_ =	shalt  }
0x6a: {  	_ =	shalt  }
0x6b: {  	_ =	shalt  }
0x6c: {  	_ =	shalt  }
0x6d: {  	_ =	shalt  }
0x6e: {  	_ =	shalt  }
0x6f: {  	_ =	shalt  }
0x70: {  	_ =	shalt  }
0x71: {  	_ =	shalt  }
0x72: {  	_ =	shalt  }
0x73: {  	_ =	shalt  }
0x74: {  	_ =	shalt  }
0x75: {  	_ =	shalt  }
0x76: {  	_ =	shalt  }
0x77: {  	_ =	shalt  }
0x78: {  	_ =	shalt  }
0x79: {  	_ =	shalt  }
0x7a: {  	_ =	shalt  }
0x7b: {  	_ =	shalt  }
0x7c: {  	_ =	shalt  }
0x7d: {  	_ =	shalt  }
0x7e: {  	_ =	shalt  }
0x7f: {  	_ =	shalt  }
0x80: {  	_ =	shalt  }
0x81: {  	_ =	shalt  }
0x82: {  	_ =	shalt  }
0x83: {  	_ =	shalt  }
0x84: {  	_ =	shalt  }
0x85: {  	_ =	shalt  }
0x86: {  	_ =	shalt  }
0x87: {  	_ =	shalt  }
.Lfunc_end0:
.L_simem_size_0:
called_computation.1_lowered:
.L_overlay_start_0:
0x88: {  	s2 =	sld [smem:$0x3FD9]  }
0x89: {  	s3 =	sld [smem:$0x3FFE];
	_ =	sdelay $0x1  }
0x8a: {  	s1 =	srdreg.scid  }
0x8b: {  	s0 =	sand.u32 $0x1, s1  }
0x8c: {  	s17 =	sshll.u32 s0, $0xA;
	s2 =	sadd.s32 s3, s2  }
0x8d: {  	s2 =	sadd.s32 s2, s17  }
0x8e: {  	[smem:$0x3FC2] =	sst s2  }
0x8f: {  	_ = 	snop  }
0x90: {  	s2 =	sld [smem:$0x3FD0];
	(tm) =	ssettm $0x1  }
0x91: {  	s18 =	sld [smem:$0x3FFB];
	_ =	sdelay $0x3  }
0x92: {  	_ =	strace s18  }
0x93: {  	s3 =	sld [smem:$0x3FFC];
	_ =	sdelay $0x3  }
0x94: {  	_ =	strace s3  }
0x95: {  	s3 =	sld [smem:$0x3FFD];
	_ =	sdelay $0x3  }
0x96: {  	_ =	strace s3  }
0x97: {  	_ =	strace $0x8FFFFFFF  }
0x98: {  	s19 =	sld [smem:$0x3FDB];
	_ =	sdelay $0x1  }
0x99: {  	s4 =	simm.s32 $_scs_section_size  }
0x9a: {  	s5 =	simm.s32 $_size__tile_overlayer_lowered;
	s6 =	simm.s32 $_tile_overlayer_lowered  }
0x9b: {  	s22 =	simm.s32 $0x1BFF;
	s21 =	sshll.u32 s6, $0x1;
	s3 =	sadd.s32 s4, s19  }
0x9c: {  	s7 =	simm.s32 $0x0;
	s20 =	sshll.u32 s5, $0x1;
	s5 =	sadd.s32 s21, s3  }
0x9d: {  	[timem:s7], [sflag:s22] =	dma.local [hbm:s5], s20  }
0x9e: {  	_ =	swait.ge [sflag:s22], s20  }
0x9f: {  	s4 =	ssub.s32 $0x0, s20;
	[sflag:s22] =	ssyncset.done $0x0  }
0xa0: {  	[sflag:s22] =	ssyncadd.s32 s4;
	_ =	sdelay $0x1  }
0xa1: {  	s23 =	simm.s32 $0x1B8B  }
0xa2: {  	_ =	swait.ge [sflag:s23], $0x1  }
0xa3: {  	[sflag:s23] =	ssyncset.done $0x0  }
0xa4: {  	s25 =	simm.s32 $0x1B8E;
	s24 =	sld [smem:$0x3FFE];
	[sflag:s23] =	ssyncadd.s32 $0xFFFFFFFF  }
0xa5: {  	s26 =	simm.s32 $execute0_lowered;
	[smem:$0x3FD2] =	sst s25  }
0xa6: {  	s5 =	sshll.u32 s26, $0x1;
	_ =	strace $0x80000046;
	[dreg:$0x1] =	wrdreg $0xFFFFFFFF  }
0xa7: {  	s28 =	simm.s32 $_size_execute0_lowered;
	s3 =	sadd.s32 s3, s5;
	[dreg:$0x0] =	wrdreg $0x0  }
0xa8: {  	s5 =	sshll.u32 s28, $0x1;
	[dreg:$0x2] =	wrdreg s3  }
0xa9: {  	[dreg:$0x3] =	wrdreg s5  }
0xaa: {  	[dreg:$0x4] =	wrdreg $0xC0  }
0xab: {  	_ =	task [dreg:s7], $0x5FFFF  }
0xac: {  	[dreg:$0x1] =	wrdreg $0xFFFFFFFF  }
0xad: {  	[dreg:$0x0] =	wrdreg $0x60  }
0xae: {  	[dreg:$0x2] =	wrdreg s24  }
0xaf: {  	[dreg:$0x3] =	wrdreg s2  }
0xb0: {  	[dreg:$0x4] =	wrdreg $0x38000  }
0xb1: {  	[dreg:$0x5] =	wrdreg $0x9  }
0xb2: {  	_ =	task.clear_ibuf [dreg:s7], $0x6FFFF;
	_ =	strace $0x90000046  }
0xb3: {  	s29 =	simm.s32 $0x9;
	_ =	strace $0x80000048  }
0xb4: {  	_ =	swait.ge [sflag:s29], $0x1  }
0xb5: {  	[sflag:s29] =	ssyncadd.s32 $0xFFFFFFFF  }
0xb6: {  	_ =	strace $0x90000048  }
0xb7: {  	_ =	sfence  }
0xb8: {  	s30 =	sld [smem:$0x0];
	_ =	sdelay $0x2  }
0xb9: {  	s31 =	sshll.u32 s1, $0xD;
	s1 =	sshrl.u32 s1, $0x2  }
0xba: {  	s3 =	sand.u32 $0x4000, s31;
	s1 =	sadd.s32 s1, s30  }
0xbb: {  	s0 =	sor.u32 s3, s0;
	s1 =	sshll.u32 s1, $0x11  }
0xbc: {  	s0 =	sor.u32 s1, s0  }
0xbd: {  	s0 =	sadd.s32 $0x8F2B, s0  }
0xbe: {  	[sflag:s0] =	ssyncadd.remote.s32 $0x1  }
0xbf: {  	_ =	sfence.sel $0xFFFF  }
0xc0: {  	[dreg:$0x0] =	wrdreg $0xFFFFFFFF;
	(pc) =	sbr.abs _section_cstart, $3  }
0xc1: {  	[dreg:$0x1] =	wrdreg $0xFFFFFFFF  }
0xc2: {  	_ =	task.clear_ibuf [dreg:s7], $0x2FFFF;
	_ =	strace $0x9FFFFFFF  }
0xc3: {  	(tm) =	ssettm $0x7FFFFFFF  }
tec
execute0_lowered:
.L_overlay_start_1:
0x0: {  	(tag) =	ssettag $0x1  }
0x1: {  	s4 =	rddreg [dreg:$0x0]  }
0x2: {  	s10 =	rddreg [dreg:$0x1]  }
0x3: {  	s0 =	stileid.u32;
	s1 =	srdreg.scid  }
0x4: {  	s2 =	rddreg [dreg:$0x2];
	s3 =	simm.s32 $0x0;
	s5 =	smul.u32 $0xA00, s0  }
0x5: {  	s14 =	simm.s32 $0x2800;
	s18 =	simm.s32 $0x0;
	s9 =	smul.u32 $0xA000, s0  }
0x6: {  	s7 =	sand.u32 $0x1, s1;
	s1 =	rddreg [dreg:$0x3];
	s11 =	smul.u32 $0x2800, s0  }
0x7: {  	[smem:$0x7FF] =	sst s3;
	s31 =	sshll.u32 s0, $0x6;
	s6 =	smul.u32 $0x500, s7  }
0x8: {  	s8 =	ssub.s32 $0x2, s7;
	_ =	strace $0x80000047;
	s13 =	smul.u32 $0x5000, s7  }
0x9: {  	s4 =	sadd.s32 s5, s4;
	s29 =	sshrl.u32 s8, $0x1;
	s30 =	sshrl.u32 s9, $0x2  }
0xa: {  	s5 =	sadd.s32 s11, s2;
	s16 =	sshrl.u32 s11, $0x3;
	s11 =	simm.s32 $0x1  }
0xb: {  	s4 =	sadd.s32 s6, s4;
	s12 =	ssub.s32 s8, s29;
	s9 =	sadd.s32 s30, s2  }
0xc: {  	s15 =	sadd.s32 s10, s13;
	s13 =	simm.s32 $0x80;
	s17 =	sshrl.u32 s5, $0x3  }
0xd: {  	s4 =	sadd.s32 $0x2000, s4;
	s6 =	sadd.s32 $0x800, s9;
	s7 =	sadd.s32 $0x1000, s9  }
0xe: {  	s8 =	sadd.s32 $0x1800, s9;
	s9 =	sadd.s32 $0x2000, s9;
	s10 =	smax.u32 s12, $0x1  }
0xf: {  	v0 =	vimm.f32 $1.000000000e+00;
	v1 =	vimm.f32 $0.0e+00;
	s12 =	simm.s32 $0x3000;
	s15 =	sadd.s32 s16, s15;
	s16 =	sor.u32 $0x1C01, s31  }
.LBB2_1:
0x10: {  	[tilespmem:s3], [sflag:$0x1] =	stream.linear.gather [hbm4b:s4+s3], $0x2800, $0x38;
	[tilespmem:$0x6000] =	vst v63  }
0x11: {  	_ =	swait.ge [sflag:s11], $0x2800  }
0x12: {  	[sflag:s11] =	ssyncset.done $0x0  }
0x13: {  	s19 =	simm.s32 $0x40;
	s20 =	simm.s32 $0x0;
	[sflag:s11] =	ssyncadd.s32 $0xFFFFD800  }
.LBB2_2:
0x14: {  	p0 =	sne.s32 s19, $0x1FC0;
	[tilespmem:s20+$0x2800] =	vst v0;
	s21 =	smov.u32 s19;
	s19 =	sadd.s32 $0x40, s19  }
.Ltmp0:
0x15: {  	[tilespmem:s20+$0x3000] =	vst v1;
	(pc) =	sbr.rel @p0 .LBB2_2-.Ltmp0, $2  }
0x16: {  	_ =	sdelay $0x2  }
0x17: {  	s20 =	sshra.s32 s21, $0x2  }
0x18: {  	[tilespmem:s20+$0x2800] =	vst v0  }
0x19: {  	[tilespmem:s20+$0x3000] =	vst v1  }
0x1a: {  	[spmem:s5] =	stream.linear.scatter [tilespmem:s12], [sflag:$0x1], $0x800, $0x38;
	[tilespmem:$0x6000] =	vst v63  }
0x1b: {  	_ =	swait.ge [sflag:s11], $0x800  }
0x1c: {  	[sflag:s11] =	ssyncset.done $0x0  }
0x1d: {  	[sflag:s11] =	ssyncadd.s32 $0xFFFFF800  }
0x1e: {  	[spmem:s6] =	stream.linear.scatter [tilespmem:s12], [sflag:$0x1], $0x800, $0x38;
	[tilespmem:$0x6000] =	vst v63  }
0x1f: {  	_ =	swait.ge [sflag:s11], $0x800  }
0x20: {  	[sflag:s11] =	ssyncset.done $0x0  }
0x21: {  	[sflag:s11] =	ssyncadd.s32 $0xFFFFF800  }
0x22: {  	[spmem:s7] =	stream.linear.scatter [tilespmem:s12], [sflag:$0x1], $0x800, $0x38;
	[tilespmem:$0x6000] =	vst v63  }
0x23: {  	_ =	swait.ge [sflag:s11], $0x800  }
0x24: {  	[sflag:s11] =	ssyncset.done $0x0  }
0x25: {  	[sflag:s11] =	ssyncadd.s32 $0xFFFFF800  }
0x26: {  	[spmem:s8] =	stream.linear.scatter [tilespmem:s12], [sflag:$0x1], $0x800, $0x38;
	[tilespmem:$0x6000] =	vst v63  }
0x27: {  	_ =	swait.ge [sflag:s11], $0x800  }
0x28: {  	[sflag:s11] =	ssyncset.done $0x0  }
0x29: {  	[sflag:s11] =	ssyncadd.s32 $0xFFFFF800  }
0x2a: {  	[spmem:s9] =	stream.linear.scatter [tilespmem:s12], [sflag:$0x1], $0x800, $0x38;
	[tilespmem:$0x6000] =	vst v63  }
0x2b: {  	_ =	swait.ge [sflag:s11], $0x800  }
0x2c: {  	[sflag:s11] =	ssyncset.done $0x0  }
0x2d: {  	[sflag:s11] =	ssyncadd.s32 $0xFFFFF800  }
0x2e: {  	s19 =	simm.s32 $0x0;
	[bflag:$0x0] =	sbarrier.arrive $0xFFFF  }
0x2f: {  	[spmem:s2] =	stream.indirect.scatter.add.f32 [tilespmem:s14], [sflag:$0x1], $0x10, s19, s13, $0xb8;
	[tilespmem:$0x6000] =	vst v63  }
0x30: {  	_ =	swait.ge [sflag:s11], $0x800  }
0x31: {  	s19 =	simm.s32 $0x200;
	[sflag:s11] =	ssyncset.done $0x0  }
.LBB2_4:
0x32: {  	s20 =	sshra.s32 s19, $0x2;
	[sflag:s11] =	ssyncadd.s32 $0xFFFFF800;
	p0 =	sne.s32 s19, $0x9E00  }
0x33: {  	[spmem:s2] =	stream.indirect.scatter.add.f32 [tilespmem:s14], [sflag:$0x1], $0x10, s20, s13, $0xb8;
	[tilespmem:$0x6000] =	vst v63  }
.Ltmp1:
0x34: {  	_ = 	snop;
	(pc) =	sbr.rel @p0 .LBB2_4-.Ltmp1, $4  }
0x35: {  	_ = 	snop  }
0x36: {  	s19 =	sadd.s32 $0x200, s19  }
0x37: {  	_ =	swait.ge [sflag:s11], $0x800  }
0x38: {  	[sflag:s11] =	ssyncset.done $0x0  }
0x39: {  	s18 =	sadd.s32 $0x1, s18  }
0x3a: {  	[sflag:s11] =	ssyncadd.s32 $0xFFFFF800;
	p0 =	sne.s32 s18, s10  }
.Ltmp2:
0x3b: {  	[bflag:$0x0] =	sbarrier.arrive $0xFFFF;
	(pc) =	sbr.rel @p0 .LBB2_1-.Ltmp2, $4  }
0x3c: {  	[hbm:s15], [sflag:s16] =	dma.local [spmem:s17], $0x500  }
0x3d: {  	_ =	swait.ge [sflag:s11], $0x500  }
0x3e: {  	[sflag:s11] =	ssyncset.done $0x0  }
0x3f: {  	[sflag:s11] =	ssyncadd.s32 $0xFFFFFB00  }
0x40: {  	_ =	sfence.sel $0x180000  }
0x41: {  	[bflag:$0x0] =	sbarrier.arrive $0xFFFF  }
0x42: {  	p0 =	sne.s32 s0, $0x0;
	_ =	strace $0x90000047  }
0x43: {  	s0 =	sadd.s32 @!p0 $0x100000, s1;
	[bflag:$0x2] =	sbarrier.arrive $0xFFFF  }
0x44: {  	[sflag:s0] =	ssyncadd.tile.s32 @!p0 $0x1;
	_ =	shalt  }
.Lfunc_end2:
_tile_overlayer_lowered:
.L_overlay_start_2:
0x45: {  	(tag) =	ssettag $0x2  }
0x46: {  	s0 =	rddreg [dreg:$0x0];
	s2 =	stileid.u32  }
0x47: {  	s1 =	rddreg [dreg:$0x1];
	p0 =	sne.s32 s2, $0x0  }
0x48: {  	s3 =	rddreg [dreg:$0x2];
	[bflag:$0x3] =	sbarrier.arrive $0xFFFF;
	s2 =	simm.s32 @!p0 $0x1C01  }
0x49: {  	[timem:s3], [sflag:s2] =	dma.local @!p0 [hbm:s0], s1  }
0x4a: {  	s0 =	simm.s32 @!p0 $0x1  }
0x4b: {  	_ =	swait.ge @!p0 [sflag:s0], s1  }
0x4c: {  	s1 =	ssub.s32 @!p0 $0x0, s1;
	[sflag:s0] =	ssyncset.done @!p0 $0x0  }
0x4d: {  	[sflag:s0] =	ssyncadd.s32 @!p0 s1  }
0x4e: {  	[bflag:$0x3] =	sbarrier.arrive $0xFFFF  }
0x4f: {  	_ =	shalt  }

</sc_bundles>
